<compile_context>
chip_gen: v7x
topology: tpu7x:2x2x1
jax: 0.10.2.dev20260603
libtpu: 0.0.44.dev20260713+nightly
codegen_flags: <defaults>
</compile_context>

<pallas_src>
import functools

import jax
import jax.numpy as jnp
from jax import lax
from jax.experimental import pallas as pl
from jax.experimental.pallas import tpu as pltpu
from jax.experimental.pallas import tpu_sc as plsc

B, H, S, L, D = 16, 16, 16, 2048, 128
BL = 1024


def _transpose_kernel(past_ref, out_ref):
    out_ref[0] = jnp.swapaxes(past_ref[0], 0, 1)


def _sc_scatter_body(idx_hbm, key_hbm, out_ref, idxv, buf, sem):
    c = lax.axis_index("c")
    s_ = lax.axis_index("s")
    w = s_ * 2 + c

    @pl.when(w < B)
    def _():
        b = w
        pltpu.sync_copy(idx_hbm.at[b], idxv)
        copies = []
        for s in range(S):
            cp = pltpu.make_async_copy(key_hbm.at[b, :, s, :], buf.at[s], sem)
            cp.start()
            copies.append(cp)
        for cp in copies:
            cp.wait()
        cp = pltpu.make_async_copy(buf, out_ref.at[idxv], sem)
        cp.start()
        cp.wait()


@functools.cache
def _sc_scatter():
    return pl.kernel(
        _sc_scatter_body,
        out_type=(),
        mesh=plsc.VectorSubcoreMesh(core_axis_name="c", subcore_axis_name="s"),
        scratch_types=[
            pltpu.VMEM((S,), jnp.int32),
            pltpu.VMEM((S, H, D), jnp.float32),
            pltpu.SemaphoreType.DMA,
        ],
    )


@jax.jit
def kernel(cache_id, batch_id, key, past):
    del batch_id
    out1 = pl.pallas_call(
        _transpose_kernel,
        grid=(B, L // BL),
        in_specs=[pl.BlockSpec((1, H, BL, D), lambda b, l: (b, 0, l, 0))],
        out_specs=pl.BlockSpec((1, BL, H, D), lambda b, l: (b, l, 0, 0)),
        out_shape=jax.ShapeDtypeStruct((B, L, H, D), past.dtype),
    )(past)
    ref = jax.new_ref(out1.reshape(B * L, H, D))
    idx = (
        jnp.arange(B, dtype=jnp.int32)[:, None] * L
        + cache_id.astype(jnp.int32)
        + jnp.arange(S, dtype=jnp.int32)[None, :]
    )
    _sc_scatter()(idx, key, ref)
    return jax.freeze(ref).reshape(B, L, H, D)

# --- scband reference (transcript-rebuilt; emitter-appended) ---
"""Pipeline reference for scband-kvcache-module-66529043415042 (READ-ONLY COPY).

The authoritative reference and input builder live on the scoring server;
editing this copy changes nothing except your own understanding.
"""

import jax, jax.numpy as jnp
import numpy as np

B, H, S, L, D = 16, 16, 16, 2048, 128

def setup_inputs() -> dict:
    rng = jax.random.key(0)
    k1, k2, k3 = jax.random.split(rng, 3)
    cache_id = jax.random.randint(k1, (B, 1), 0, L - S)
    batch_id = jnp.arange(B).reshape(B, 1)
    key = jax.random.normal(k2, (B, H, S, D), dtype=jnp.float32)
    past = jax.random.normal(k3, (B, H, L, D), dtype=jnp.float32)
    return {"cache_id": cache_id, "batch_id": batch_id, "key": key, "past": past}

def reference(cache_id, batch_id, key, past):
    seq_length = key.shape[-2]
    # kv_indices: [B, S] = arange(S)[None, :] + cache_id
    kv_indices = jnp.arange(seq_length)[None, :] + cache_id
    # past.transpose(1, 2): [B, L, H, D]
    past_t = jnp.transpose(past, (0, 2, 1, 3))
    # key.transpose(1, 2): [B, S, H, D]
    key_t = jnp.transpose(key, (0, 2, 1, 3))
    # scatter-overwrite: past[batch_id, kv_indices] = key_t
    updated = past_t.at[batch_id, kv_indices].set(key_t)
    return updated

if __name__ == "__main__":
    import jax
    _d = setup_inputs()
    print(jax.jit(kernel)(*tuple(_d.values())))

</pallas_src>

<mosaic_0001>
#map = affine_map<(d0, d1) -> (0, 0)>
#map1 = affine_map<(d0, d1) -> (0, 0, 0, 0)>
#map2 = affine_map<(d0, d1) -> (0, 0, 0)>
module attributes {stable_mosaic.version = 14 : i64} {
  func.func @new_body(%arg0: i32, %arg1: i32, %arg2: memref<16x16xi32, #tpu.memory_space<hbm>>, %arg3: memref<16x16x16x128xf32, #tpu.memory_space<hbm>>, %arg4: memref<32768x16x128xf32, #tpu.memory_space<hbm>>, %arg5: memref<32768x16x128xf32, #tpu.memory_space<hbm>>, %arg6: memref<16xi32, #tpu.memory_space<vmem>>, %arg7: memref<16x16x128xf32, #tpu.memory_space<vmem>>, %arg8: memref<!tpu.dma_semaphore, #tpu.memory_space<semaphore_mem>>) attributes {dimension_semantics = [#tpu.dimension_semantics<core_parallel>, #tpu.dimension_semantics<subcore_parallel>], iteration_bounds = array<i64: 2, 16>, scalar_prefetch = 0 : i64, scratch_operands = 3 : i64, tpu.core_type = #tpu.core_type<sc_vector_subcore>, window_params = [{transform_indices = #map}, {transform_indices = #map1}, {transform_indices = #map2}, {transform_indices = #map2}]} {
    %mul3A = arith.constant 2 : i32
    %mul3A_0 = arith.muli %arg1, %mul3A : i32
    %add3A = arith.addi %mul3A_0, %arg0 : i32
    %lt3A = arith.constant 16 : i32
    %lt3A_1 = arith.cmpi slt, %add3A, %lt3A : i32
    %convert_element_type3A = arith.extui %lt3A_1 : i1 to i32
    %cond3A = arith.constant 0 : i32
    %cond3A_2 = arith.cmpi ne, %convert_element_type3A, %cond3A : i32
    scf.if %cond3A_2 {
      "tpu.region"() ({
        %run_scoped3A = tpu.sem_alloc : memref<!tpu.dma_semaphore, #tpu.memory_space<semaphore_mem>>
        %dma_start3A_585 = arith.constant 0 : i32
        %dma_start3A_586 = tpu.memref_slice %arg2[%add3A, %dma_start3A_585] : memref<16x16xi32, #tpu.memory_space<hbm>> -> memref<1x16xi32, #tpu.memory_space<hbm>>
        %dma_start3A_587 = tpu.memref_squeeze %dma_start3A_586 : memref<1x16xi32, #tpu.memory_space<hbm>> -> memref<16xi32, #tpu.memory_space<hbm>>
        %dma_start3A_588 = arith.constant 0 : i32
        %dma_start3A_589 = tpu.memref_slice %arg2[%add3A, %dma_start3A_588] : memref<16x16xi32, #tpu.memory_space<hbm>> -> memref<1x16xi32, #tpu.memory_space<hbm>>
        %dma_start3A_590 = tpu.memref_squeeze %dma_start3A_589 : memref<1x16xi32, #tpu.memory_space<hbm>> -> memref<16xi32, #tpu.memory_space<hbm>>
        tpu.enqueue_dma source(%dma_start3A_590 : memref<16xi32, #tpu.memory_space<hbm>>) target(%arg6 : memref<16xi32, #tpu.memory_space<vmem>>) target_semaphore(%run_scoped3A : memref<!tpu.dma_semaphore, #tpu.memory_space<semaphore_mem>>)
        %dma_wait3A_591 = arith.constant 0 : i32
        %dma_wait3A_592 = tpu.memref_slice %arg2[%add3A, %dma_wait3A_591] : memref<16x16xi32, #tpu.memory_space<hbm>> -> memref<1x16xi32, #tpu.memory_space<hbm>>
        %dma_wait3A_593 = tpu.memref_squeeze %dma_wait3A_592 : memref<1x16xi32, #tpu.memory_space<hbm>> -> memref<16xi32, #tpu.memory_space<hbm>>
        %dma_wait3A_594 = arith.constant 0 : i32
        %dma_wait3A_595 = tpu.memref_slice %arg2[%add3A, %dma_wait3A_594] : memref<16x16xi32, #tpu.memory_space<hbm>> -> memref<1x16xi32, #tpu.memory_space<hbm>>
        %dma_wait3A_596 = tpu.memref_squeeze %dma_wait3A_595 : memref<1x16xi32, #tpu.memory_space<hbm>> -> memref<16xi32, #tpu.memory_space<hbm>>
        tpu.wait_dma2 semaphore(%run_scoped3A : memref<!tpu.dma_semaphore, #tpu.memory_space<semaphore_mem>>) src(%dma_wait3A_596 : memref<16xi32, #tpu.memory_space<hbm>>) dst(%arg6 : memref<16xi32, #tpu.memory_space<vmem>>)
        tpu.yield
      }) : () -> ()
      %dma_start3A = arith.constant 0 : i32
      %dma_start3A_3 = arith.constant 0 : i32
      %dma_start3A_4 = arith.constant 0 : i32
      %dma_start3A_5 = arith.constant 0 : i32
      %dma_start3A_6 = tpu.memref_slice %arg7[%dma_start3A_3, %dma_start3A_4, %dma_start3A_5] : memref<16x16x128xf32, #tpu.memory_space<vmem>> -> memref<1x16x128xf32, #tpu.memory_space<vmem>>
      %dma_start3A_7 = tpu.memref_squeeze %dma_start3A_6 : memref<1x16x128xf32, #tpu.memory_space<vmem>> -> memref<16x128xf32, #tpu.memory_space<vmem>>
      %dma_start3A_8 = arith.constant 0 : i32
      %dma_start3A_9 = arith.constant 0 : i32
      %dma_start3A_10 = tpu.memref_slice %arg3[%add3A, %dma_start3A_8, %dma_start3A, %dma_start3A_9] : memref<16x16x16x128xf32, #tpu.memory_space<hbm>> -> memref<1x16x1x128xf32, #tpu.memory_space<hbm>>
      %dma_start3A_11 = tpu.memref_squeeze %dma_start3A_10 : memref<1x16x1x128xf32, #tpu.memory_space<hbm>> -> memref<16x128xf32, #tpu.memory_space<hbm>>
      %dma_start3A_12 = arith.constant 0 : i32
      %dma_start3A_13 = arith.constant 0 : i32
      %dma_start3A_14 = tpu.memref_slice %arg7[%dma_start3A_3, %dma_start3A_12, %dma_start3A_13] : memref<16x16x128xf32, #tpu.memory_space<vmem>> -> memref<1x16x128xf32, #tpu.memory_space<vmem>>
      %dma_start3A_15 = tpu.memref_squeeze %dma_start3A_14 : memref<1x16x128xf32, #tpu.memory_space<vmem>> -> memref<16x128xf32, #tpu.memory_space<vmem>>
      %dma_start3A_16 = arith.constant 0 : i32
      %dma_start3A_17 = arith.constant 0 : i32
      %dma_start3A_18 = tpu.memref_slice %arg3[%add3A, %dma_start3A_16, %dma_start3A, %dma_start3A_17] : memref<16x16x16x128xf32, #tpu.memory_space<hbm>> -> memref<1x16x1x128xf32, #tpu.memory_space<hbm>>
      %dma_start3A_19 = tpu.memref_squeeze %dma_start3A_18 : memref<1x16x1x128xf32, #tpu.memory_space<hbm>> -> memref<16x128xf32, #tpu.memory_space<hbm>>
      tpu.enqueue_dma source(%dma_start3A_19 : memref<16x128xf32, #tpu.memory_space<hbm>>) target(%dma_start3A_15 : memref<16x128xf32, #tpu.memory_space<vmem>>) target_semaphore(%arg8 : memref<!tpu.dma_semaphore, #tpu.memory_space<semaphore_mem>>)
      %dma_start3A_20 = arith.constant 1 : i32
      %dma_start3A_21 = arith.constant 1 : i32
      %dma_start3A_22 = arith.constant 0 : i32
      %dma_start3A_23 = arith.constant 0 : i32
      %dma_start3A_24 = tpu.memref_slice %arg7[%dma_start3A_21, %dma_start3A_22, %dma_start3A_23] : memref<16x16x128xf32, #tpu.memory_space<vmem>> -> memref<1x16x128xf32, #tpu.memory_space<vmem>>
      %dma_start3A_25 = tpu.memref_squeeze %dma_start3A_24 : memref<1x16x128xf32, #tpu.memory_space<vmem>> -> memref<16x128xf32, #tpu.memory_space<vmem>>
      %dma_start3A_26 = arith.constant 0 : i32
      %dma_start3A_27 = arith.constant 0 : i32
      %dma_start3A_28 = tpu.memref_slice %arg3[%add3A, %dma_start3A_26, %dma_start3A_20, %dma_start3A_27] : memref<16x16x16x128xf32, #tpu.memory_space<hbm>> -> memref<1x16x1x128xf32, #tpu.memory_space<hbm>>
      %dma_start3A_29 = tpu.memref_squeeze %dma_start3A_28 : memref<1x16x1x128xf32, #tpu.memory_space<hbm>> -> memref<16x128xf32, #tpu.memory_space<hbm>>
      %dma_start3A_30 = arith.constant 0 : i32
      %dma_start3A_31 = arith.constant 0 : i32
      %dma_start3A_32 = tpu.memref_slice %arg7[%dma_start3A_21, %dma_start3A_30, %dma_start3A_31] : memref<16x16x128xf32, #tpu.memory_space<vmem>> -> memref<1x16x128xf32, #tpu.memory_space<vmem>>
      %dma_start3A_33 = tpu.memref_squeeze %dma_start3A_32 : memref<1x16x128xf32, #tpu.memory_space<vmem>> -> memref<16x128xf32, #tpu.memory_space<vmem>>
      %dma_start3A_34 = arith.constant 0 : i32
      %dma_start3A_35 = arith.constant 0 : i32
      %dma_start3A_36 = tpu.memref_slice %arg3[%add3A, %dma_start3A_34, %dma_start3A_20, %dma_start3A_35] : memref<16x16x16x128xf32, #tpu.memory_space<hbm>> -> memref<1x16x1x128xf32, #tpu.memory_space<hbm>>
      %dma_start3A_37 = tpu.memref_squeeze %dma_start3A_36 : memref<1x16x1x128xf32, #tpu.memory_space<hbm>> -> memref<16x128xf32, #tpu.memory_space<hbm>>
      tpu.enqueue_dma source(%dma_start3A_37 : memref<16x128xf32, #tpu.memory_space<hbm>>) target(%dma_start3A_33 : memref<16x128xf32, #tpu.memory_space<vmem>>) target_semaphore(%arg8 : memref<!tpu.dma_semaphore, #tpu.memory_space<semaphore_mem>>)
      %dma_start3A_38 = arith.constant 2 : i32
      %dma_start3A_39 = arith.constant 2 : i32
      %dma_start3A_40 = arith.constant 0 : i32
      %dma_start3A_41 = arith.constant 0 : i32
      %dma_start3A_42 = tpu.memref_slice %arg7[%dma_start3A_39, %dma_start3A_40, %dma_start3A_41] : memref<16x16x128xf32, #tpu.memory_space<vmem>> -> memref<1x16x128xf32, #tpu.memory_space<vmem>>
      %dma_start3A_43 = tpu.memref_squeeze %dma_start3A_42 : memref<1x16x128xf32, #tpu.memory_space<vmem>> -> memref<16x128xf32, #tpu.memory_space<vmem>>
      %dma_start3A_44 = arith.constant 0 : i32
      %dma_start3A_45 = arith.constant 0 : i32
      %dma_start3A_46 = tpu.memref_slice %arg3[%add3A, %dma_start3A_44, %dma_start3A_38, %dma_start3A_45] : memref<16x16x16x128xf32, #tpu.memory_space<hbm>> -> memref<1x16x1x128xf32, #tpu.memory_space<hbm>>
      %dma_start3A_47 = tpu.memref_squeeze %dma_start3A_46 : memref<1x16x1x128xf32, #tpu.memory_space<hbm>> -> memref<16x128xf32, #tpu.memory_space<hbm>>
      %dma_start3A_48 = arith.constant 0 : i32
      %dma_start3A_49 = arith.constant 0 : i32
      %dma_start3A_50 = tpu.memref_slice %arg7[%dma_start3A_39, %dma_start3A_48, %dma_start3A_49] : memref<16x16x128xf32, #tpu.memory_space<vmem>> -> memref<1x16x128xf32, #tpu.memory_space<vmem>>
      %dma_start3A_51 = tpu.memref_squeeze %dma_start3A_50 : memref<1x16x128xf32, #tpu.memory_space<vmem>> -> memref<16x128xf32, #tpu.memory_space<vmem>>
      %dma_start3A_52 = arith.constant 0 : i32
      %dma_start3A_53 = arith.constant 0 : i32
      %dma_start3A_54 = tpu.memref_slice %arg3[%add3A, %dma_start3A_52, %dma_start3A_38, %dma_start3A_53] : memref<16x16x16x128xf32, #tpu.memory_space<hbm>> -> memref<1x16x1x128xf32, #tpu.memory_space<hbm>>
      %dma_start3A_55 = tpu.memref_squeeze %dma_start3A_54 : memref<1x16x1x128xf32, #tpu.memory_space<hbm>> -> memref<16x128xf32, #tpu.memory_space<hbm>>
      tpu.enqueue_dma source(%dma_start3A_55 : memref<16x128xf32, #tpu.memory_space<hbm>>) target(%dma_start3A_51 : memref<16x128xf32, #tpu.memory_space<vmem>>) target_semaphore(%arg8 : memref<!tpu.dma_semaphore, #tpu.memory_space<semaphore_mem>>)
      %dma_start3A_56 = arith.constant 3 : i32
      %dma_start3A_57 = arith.constant 3 : i32
      %dma_start3A_58 = arith.constant 0 : i32
      %dma_start3A_59 = arith.constant 0 : i32
      %dma_start3A_60 = tpu.memref_slice %arg7[%dma_start3A_57, %dma_start3A_58, %dma_start3A_59] : memref<16x16x128xf32, #tpu.memory_space<vmem>> -> memref<1x16x128xf32, #tpu.memory_space<vmem>>
      %dma_start3A_61 = tpu.memref_squeeze %dma_start3A_60 : memref<1x16x128xf32, #tpu.memory_space<vmem>> -> memref<16x128xf32, #tpu.memory_space<vmem>>
      %dma_start3A_62 = arith.constant 0 : i32
      %dma_start3A_63 = arith.constant 0 : i32
      %dma_start3A_64 = tpu.memref_slice %arg3[%add3A, %dma_start3A_62, %dma_start3A_56, %dma_start3A_63] : memref<16x16x16x128xf32, #tpu.memory_space<hbm>> -> memref<1x16x1x128xf32, #tpu.memory_space<hbm>>
      %dma_start3A_65 = tpu.memref_squeeze %dma_start3A_64 : memref<1x16x1x128xf32, #tpu.memory_space<hbm>> -> memref<16x128xf32, #tpu.memory_space<hbm>>
      %dma_start3A_66 = arith.constant 0 : i32
      %dma_start3A_67 = arith.constant 0 : i32
      %dma_start3A_68 = tpu.memref_slice %arg7[%dma_start3A_57, %dma_start3A_66, %dma_start3A_67] : memref<16x16x128xf32, #tpu.memory_space<vmem>> -> memref<1x16x128xf32, #tpu.memory_space<vmem>>
      %dma_start3A_69 = tpu.memref_squeeze %dma_start3A_68 : memref<1x16x128xf32, #tpu.memory_space<vmem>> -> memref<16x128xf32, #tpu.memory_space<vmem>>
      %dma_start3A_70 = arith.constant 0 : i32
      %dma_start3A_71 = arith.constant 0 : i32
      %dma_start3A_72 = tpu.memref_slice %arg3[%add3A, %dma_start3A_70, %dma_start3A_56, %dma_start3A_71] : memref<16x16x16x128xf32, #tpu.memory_space<hbm>> -> memref<1x16x1x128xf32, #tpu.memory_space<hbm>>
      %dma_start3A_73 = tpu.memref_squeeze %dma_start3A_72 : memref<1x16x1x128xf32, #tpu.memory_space<hbm>> -> memref<16x128xf32, #tpu.memory_space<hbm>>
      tpu.enqueue_dma source(%dma_start3A_73 : memref<16x128xf32, #tpu.memory_space<hbm>>) target(%dma_start3A_69 : memref<16x128xf32, #tpu.memory_space<vmem>>) target_semaphore(%arg8 : memref<!tpu.dma_semaphore, #tpu.memory_space<semaphore_mem>>)
      %dma_start3A_74 = arith.constant 4 : i32
      %dma_start3A_75 = arith.constant 4 : i32
      %dma_start3A_76 = arith.constant 0 : i32
      %dma_start3A_77 = arith.constant 0 : i32
      %dma_start3A_78 = tpu.memref_slice %arg7[%dma_start3A_75, %dma_start3A_76, %dma_start3A_77] : memref<16x16x128xf32, #tpu.memory_space<vmem>> -> memref<1x16x128xf32, #tpu.memory_space<vmem>>
      %dma_start3A_79 = tpu.memref_squeeze %dma_start3A_78 : memref<1x16x128xf32, #tpu.memory_space<vmem>> -> memref<16x128xf32, #tpu.memory_space<vmem>>
      %dma_start3A_80 = arith.constant 0 : i32
      %dma_start3A_81 = arith.constant 0 : i32
      %dma_start3A_82 = tpu.memref_slice %arg3[%add3A, %dma_start3A_80, %dma_start3A_74, %dma_start3A_81] : memref<16x16x16x128xf32, #tpu.memory_space<hbm>> -> memref<1x16x1x128xf32, #tpu.memory_space<hbm>>
      %dma_start3A_83 = tpu.memref_squeeze %dma_start3A_82 : memref<1x16x1x128xf32, #tpu.memory_space<hbm>> -> memref<16x128xf32, #tpu.memory_space<hbm>>
      %dma_start3A_84 = arith.constant 0 : i32
      %dma_start3A_85 = arith.constant 0 : i32
      %dma_start3A_86 = tpu.memref_slice %arg7[%dma_start3A_75, %dma_start3A_84, %dma_start3A_85] : memref<16x16x128xf32, #tpu.memory_space<vmem>> -> memref<1x16x128xf32, #tpu.memory_space<vmem>>
      %dma_start3A_87 = tpu.memref_squeeze %dma_start3A_86 : memref<1x16x128xf32, #tpu.memory_space<vmem>> -> memref<16x128xf32, #tpu.memory_space<vmem>>
      %dma_start3A_88 = arith.constant 0 : i32
      %dma_start3A_89 = arith.constant 0 : i32
      %dma_start3A_90 = tpu.memref_slice %arg3[%add3A, %dma_start3A_88, %dma_start3A_74, %dma_start3A_89] : memref<16x16x16x128xf32, #tpu.memory_space<hbm>> -> memref<1x16x1x128xf32, #tpu.memory_space<hbm>>
      %dma_start3A_91 = tpu.memref_squeeze %dma_start3A_90 : memref<1x16x1x128xf32, #tpu.memory_space<hbm>> -> memref<16x128xf32, #tpu.memory_space<hbm>>
      tpu.enqueue_dma source(%dma_start3A_91 : memref<16x128xf32, #tpu.memory_space<hbm>>) target(%dma_start3A_87 : memref<16x128xf32, #tpu.memory_space<vmem>>) target_semaphore(%arg8 : memref<!tpu.dma_semaphore, #tpu.memory_space<semaphore_mem>>)
      %dma_start3A_92 = arith.constant 5 : i32
      %dma_start3A_93 = arith.constant 5 : i32
      %dma_start3A_94 = arith.constant 0 : i32
      %dma_start3A_95 = arith.constant 0 : i32
      %dma_start3A_96 = tpu.memref_slice %arg7[%dma_start3A_93, %dma_start3A_94, %dma_start3A_95] : memref<16x16x128xf32, #tpu.memory_space<vmem>> -> memref<1x16x128xf32, #tpu.memory_space<vmem>>
      %dma_start3A_97 = tpu.memref_squeeze %dma_start3A_96 : memref<1x16x128xf32, #tpu.memory_space<vmem>> -> memref<16x128xf32, #tpu.memory_space<vmem>>
      %dma_start3A_98 = arith.constant 0 : i32
      %dma_start3A_99 = arith.constant 0 : i32
      %dma_start3A_100 = tpu.memref_slice %arg3[%add3A, %dma_start3A_98, %dma_start3A_92, %dma_start3A_99] : memref<16x16x16x128xf32, #tpu.memory_space<hbm>> -> memref<1x16x1x128xf32, #tpu.memory_space<hbm>>
      %dma_start3A_101 = tpu.memref_squeeze %dma_start3A_100 : memref<1x16x1x128xf32, #tpu.memory_space<hbm>> -> memref<16x128xf32, #tpu.memory_space<hbm>>
      %dma_start3A_102 = arith.constant 0 : i32
      %dma_start3A_103 = arith.constant 0 : i32
      %dma_start3A_104 = tpu.memref_slice %arg7[%dma_start3A_93, %dma_start3A_102, %dma_start3A_103] : memref<16x16x128xf32, #tpu.memory_space<vmem>> -> memref<1x16x128xf32, #tpu.memory_space<vmem>>
      %dma_start3A_105 = tpu.memref_squeeze %dma_start3A_104 : memref<1x16x128xf32, #tpu.memory_space<vmem>> -> memref<16x128xf32, #tpu.memory_space<vmem>>
      %dma_start3A_106 = arith.constant 0 : i32
      %dma_start3A_107 = arith.constant 0 : i32
      %dma_start3A_108 = tpu.memref_slice %arg3[%add3A, %dma_start3A_106, %dma_start3A_92, %dma_start3A_107] : memref<16x16x16x128xf32, #tpu.memory_space<hbm>> -> memref<1x16x1x128xf32, #tpu.memory_space<hbm>>
      %dma_start3A_109 = tpu.memref_squeeze %dma_start3A_108 : memref<1x16x1x128xf32, #tpu.memory_space<hbm>> -> memref<16x128xf32, #tpu.memory_space<hbm>>
      tpu.enqueue_dma source(%dma_start3A_109 : memref<16x128xf32, #tpu.memory_space<hbm>>) target(%dma_start3A_105 : memref<16x128xf32, #tpu.memory_space<vmem>>) target_semaphore(%arg8 : memref<!tpu.dma_semaphore, #tpu.memory_space<semaphore_mem>>)
      %dma_start3A_110 = arith.constant 6 : i32
      %dma_start3A_111 = arith.constant 6 : i32
      %dma_start3A_112 = arith.constant 0 : i32
      %dma_start3A_113 = arith.constant 0 : i32
      %dma_start3A_114 = tpu.memref_slice %arg7[%dma_start3A_111, %dma_start3A_112, %dma_start3A_113] : memref<16x16x128xf32, #tpu.memory_space<vmem>> -> memref<1x16x128xf32, #tpu.memory_space<vmem>>
      %dma_start3A_115 = tpu.memref_squeeze %dma_start3A_114 : memref<1x16x128xf32, #tpu.memory_space<vmem>> -> memref<16x128xf32, #tpu.memory_space<vmem>>
      %dma_start3A_116 = arith.constant 0 : i32
      %dma_start3A_117 = arith.constant 0 : i32
      %dma_start3A_118 = tpu.memref_slice %arg3[%add3A, %dma_start3A_116, %dma_start3A_110, %dma_start3A_117] : memref<16x16x16x128xf32, #tpu.memory_space<hbm>> -> memref<1x16x1x128xf32, #tpu.memory_space<hbm>>
      %dma_start3A_119 = tpu.memref_squeeze %dma_start3A_118 : memref<1x16x1x128xf32, #tpu.memory_space<hbm>> -> memref<16x128xf32, #tpu.memory_space<hbm>>
      %dma_start3A_120 = arith.constant 0 : i32
      %dma_start3A_121 = arith.constant 0 : i32
      %dma_start3A_122 = tpu.memref_slice %arg7[%dma_start3A_111, %dma_start3A_120, %dma_start3A_121] : memref<16x16x128xf32, #tpu.memory_space<vmem>> -> memref<1x16x128xf32, #tpu.memory_space<vmem>>
      %dma_start3A_123 = tpu.memref_squeeze %dma_start3A_122 : memref<1x16x128xf32, #tpu.memory_space<vmem>> -> memref<16x128xf32, #tpu.memory_space<vmem>>
      %dma_start3A_124 = arith.constant 0 : i32
      %dma_start3A_125 = arith.constant 0 : i32
      %dma_start3A_126 = tpu.memref_slice %arg3[%add3A, %dma_start3A_124, %dma_start3A_110, %dma_start3A_125] : memref<16x16x16x128xf32, #tpu.memory_space<hbm>> -> memref<1x16x1x128xf32, #tpu.memory_space<hbm>>
      %dma_start3A_127 = tpu.memref_squeeze %dma_start3A_126 : memref<1x16x1x128xf32, #tpu.memory_space<hbm>> -> memref<16x128xf32, #tpu.memory_space<hbm>>
      tpu.enqueue_dma source(%dma_start3A_127 : memref<16x128xf32, #tpu.memory_space<hbm>>) target(%dma_start3A_123 : memref<16x128xf32, #tpu.memory_space<vmem>>) target_semaphore(%arg8 : memref<!tpu.dma_semaphore, #tpu.memory_space<semaphore_mem>>)
      %dma_start3A_128 = arith.constant 7 : i32
      %dma_start3A_129 = arith.constant 7 : i32
      %dma_start3A_130 = arith.constant 0 : i32
      %dma_start3A_131 = arith.constant 0 : i32
      %dma_start3A_132 = tpu.memref_slice %arg7[%dma_start3A_129, %dma_start3A_130, %dma_start3A_131] : memref<16x16x128xf32, #tpu.memory_space<vmem>> -> memref<1x16x128xf32, #tpu.memory_space<vmem>>
      %dma_start3A_133 = tpu.memref_squeeze %dma_start3A_132 : memref<1x16x128xf32, #tpu.memory_space<vmem>> -> memref<16x128xf32, #tpu.memory_space<vmem>>
      %dma_start3A_134 = arith.constant 0 : i32
      %dma_start3A_135 = arith.constant 0 : i32
      %dma_start3A_136 = tpu.memref_slice %arg3[%add3A, %dma_start3A_134, %dma_start3A_128, %dma_start3A_135] : memref<16x16x16x128xf32, #tpu.memory_space<hbm>> -> memref<1x16x1x128xf32, #tpu.memory_space<hbm>>
      %dma_start3A_137 = tpu.memref_squeeze %dma_start3A_136 : memref<1x16x1x128xf32, #tpu.memory_space<hbm>> -> memref<16x128xf32, #tpu.memory_space<hbm>>
      %dma_start3A_138 = arith.constant 0 : i32
      %dma_start3A_139 = arith.constant 0 : i32
      %dma_start3A_140 = tpu.memref_slice %arg7[%dma_start3A_129, %dma_start3A_138, %dma_start3A_139] : memref<16x16x128xf32, #tpu.memory_space<vmem>> -> memref<1x16x128xf32, #tpu.memory_space<vmem>>
      %dma_start3A_141 = tpu.memref_squeeze %dma_start3A_140 : memref<1x16x128xf32, #tpu.memory_space<vmem>> -> memref<16x128xf32, #tpu.memory_space<vmem>>
      %dma_start3A_142 = arith.constant 0 : i32
      %dma_start3A_143 = arith.constant 0 : i32
      %dma_start3A_144 = tpu.memref_slice %arg3[%add3A, %dma_start3A_142, %dma_start3A_128, %dma_start3A_143] : memref<16x16x16x128xf32, #tpu.memory_space<hbm>> -> memref<1x16x1x128xf32, #tpu.memory_space<hbm>>
      %dma_start3A_145 = tpu.memref_squeeze %dma_start3A_144 : memref<1x16x1x128xf32, #tpu.memory_space<hbm>> -> memref<16x128xf32, #tpu.memory_space<hbm>>
      tpu.enqueue_dma source(%dma_start3A_145 : memref<16x128xf32, #tpu.memory_space<hbm>>) target(%dma_start3A_141 : memref<16x128xf32, #tpu.memory_space<vmem>>) target_semaphore(%arg8 : memref<!tpu.dma_semaphore, #tpu.memory_space<semaphore_mem>>)
      %dma_start3A_146 = arith.constant 8 : i32
      %dma_start3A_147 = arith.constant 8 : i32
      %dma_start3A_148 = arith.constant 0 : i32
      %dma_start3A_149 = arith.constant 0 : i32
      %dma_start3A_150 = tpu.memref_slice %arg7[%dma_start3A_147, %dma_start3A_148, %dma_start3A_149] : memref<16x16x128xf32, #tpu.memory_space<vmem>> -> memref<1x16x128xf32, #tpu.memory_space<vmem>>
      %dma_start3A_151 = tpu.memref_squeeze %dma_start3A_150 : memref<1x16x128xf32, #tpu.memory_space<vmem>> -> memref<16x128xf32, #tpu.memory_space<vmem>>
      %dma_start3A_152 = arith.constant 0 : i32
      %dma_start3A_153 = arith.constant 0 : i32
      %dma_start3A_154 = tpu.memref_slice %arg3[%add3A, %dma_start3A_152, %dma_start3A_146, %dma_start3A_153] : memref<16x16x16x128xf32, #tpu.memory_space<hbm>> -> memref<1x16x1x128xf32, #tpu.memory_space<hbm>>
      %dma_start3A_155 = tpu.memref_squeeze %dma_start3A_154 : memref<1x16x1x128xf32, #tpu.memory_space<hbm>> -> memref<16x128xf32, #tpu.memory_space<hbm>>
      %dma_start3A_156 = arith.constant 0 : i32
      %dma_start3A_157 = arith.constant 0 : i32
      %dma_start3A_158 = tpu.memref_slice %arg7[%dma_start3A_147, %dma_start3A_156, %dma_start3A_157] : memref<16x16x128xf32, #tpu.memory_space<vmem>> -> memref<1x16x128xf32, #tpu.memory_space<vmem>>
      %dma_start3A_159 = tpu.memref_squeeze %dma_start3A_158 : memref<1x16x128xf32, #tpu.memory_space<vmem>> -> memref<16x128xf32, #tpu.memory_space<vmem>>
      %dma_start3A_160 = arith.constant 0 : i32
      %dma_start3A_161 = arith.constant 0 : i32
      %dma_start3A_162 = tpu.memref_slice %arg3[%add3A, %dma_start3A_160, %dma_start3A_146, %dma_start3A_161] : memref<16x16x16x128xf32, #tpu.memory_space<hbm>> -> memref<1x16x1x128xf32, #tpu.memory_space<hbm>>
      %dma_start3A_163 = tpu.memref_squeeze %dma_start3A_162 : memref<1x16x1x128xf32, #tpu.memory_space<hbm>> -> memref<16x128xf32, #tpu.memory_space<hbm>>
      tpu.enqueue_dma source(%dma_start3A_163 : memref<16x128xf32, #tpu.memory_space<hbm>>) target(%dma_start3A_159 : memref<16x128xf32, #tpu.memory_space<vmem>>) target_semaphore(%arg8 : memref<!tpu.dma_semaphore, #tpu.memory_space<semaphore_mem>>)
      %dma_start3A_164 = arith.constant 9 : i32
      %dma_start3A_165 = arith.constant 9 : i32
      %dma_start3A_166 = arith.constant 0 : i32
      %dma_start3A_167 = arith.constant 0 : i32
      %dma_start3A_168 = tpu.memref_slice %arg7[%dma_start3A_165, %dma_start3A_166, %dma_start3A_167] : memref<16x16x128xf32, #tpu.memory_space<vmem>> -> memref<1x16x128xf32, #tpu.memory_space<vmem>>
      %dma_start3A_169 = tpu.memref_squeeze %dma_start3A_168 : memref<1x16x128xf32, #tpu.memory_space<vmem>> -> memref<16x128xf32, #tpu.memory_space<vmem>>
      %dma_start3A_170 = arith.constant 0 : i32
      %dma_start3A_171 = arith.constant 0 : i32
      %dma_start3A_172 = tpu.memref_slice %arg3[%add3A, %dma_start3A_170, %dma_start3A_164, %dma_start3A_171] : memref<16x16x16x128xf32, #tpu.memory_space<hbm>> -> memref<1x16x1x128xf32, #tpu.memory_space<hbm>>
      %dma_start3A_173 = tpu.memref_squeeze %dma_start3A_172 : memref<1x16x1x128xf32, #tpu.memory_space<hbm>> -> memref<16x128xf32, #tpu.memory_space<hbm>>
      %dma_start3A_174 = arith.constant 0 : i32
      %dma_start3A_175 = arith.constant 0 : i32
      %dma_start3A_176 = tpu.memref_slice %arg7[%dma_start3A_165, %dma_start3A_174, %dma_start3A_175] : memref<16x16x128xf32, #tpu.memory_space<vmem>> -> memref<1x16x128xf32, #tpu.memory_space<vmem>>
      %dma_start3A_177 = tpu.memref_squeeze %dma_start3A_176 : memref<1x16x128xf32, #tpu.memory_space<vmem>> -> memref<16x128xf32, #tpu.memory_space<vmem>>
      %dma_start3A_178 = arith.constant 0 : i32
      %dma_start3A_179 = arith.constant 0 : i32
      %dma_start3A_180 = tpu.memref_slice %arg3[%add3A, %dma_start3A_178, %dma_start3A_164, %dma_start3A_179] : memref<16x16x16x128xf32, #tpu.memory_space<hbm>> -> memref<1x16x1x128xf32, #tpu.memory_space<hbm>>
      %dma_start3A_181 = tpu.memref_squeeze %dma_start3A_180 : memref<1x16x1x128xf32, #tpu.memory_space<hbm>> -> memref<16x128xf32, #tpu.memory_space<hbm>>
      tpu.enqueue_dma source(%dma_start3A_181 : memref<16x128xf32, #tpu.memory_space<hbm>>) target(%dma_start3A_177 : memref<16x128xf32, #tpu.memory_space<vmem>>) target_semaphore(%arg8 : memref<!tpu.dma_semaphore, #tpu.memory_space<semaphore_mem>>)
      %dma_start3A_182 = arith.constant 10 : i32
      %dma_start3A_183 = arith.constant 10 : i32
      %dma_start3A_184 = arith.constant 0 : i32
      %dma_start3A_185 = arith.constant 0 : i32
      %dma_start3A_186 = tpu.memref_slice %arg7[%dma_start3A_183, %dma_start3A_184, %dma_start3A_185] : memref<16x16x128xf32, #tpu.memory_space<vmem>> -> memref<1x16x128xf32, #tpu.memory_space<vmem>>
      %dma_start3A_187 = tpu.memref_squeeze %dma_start3A_186 : memref<1x16x128xf32, #tpu.memory_space<vmem>> -> memref<16x128xf32, #tpu.memory_space<vmem>>
      %dma_start3A_188 = arith.constant 0 : i32
      %dma_start3A_189 = arith.constant 0 : i32
      %dma_start3A_190 = tpu.memref_slice %arg3[%add3A, %dma_start3A_188, %dma_start3A_182, %dma_start3A_189] : memref<16x16x16x128xf32, #tpu.memory_space<hbm>> -> memref<1x16x1x128xf32, #tpu.memory_space<hbm>>
      %dma_start3A_191 = tpu.memref_squeeze %dma_start3A_190 : memref<1x16x1x128xf32, #tpu.memory_space<hbm>> -> memref<16x128xf32, #tpu.memory_space<hbm>>
      %dma_start3A_192 = arith.constant 0 : i32
      %dma_start3A_193 = arith.constant 0 : i32
      %dma_start3A_194 = tpu.memref_slice %arg7[%dma_start3A_183, %dma_start3A_192, %dma_start3A_193] : memref<16x16x128xf32, #tpu.memory_space<vmem>> -> memref<1x16x128xf32, #tpu.memory_space<vmem>>
      %dma_start3A_195 = tpu.memref_squeeze %dma_start3A_194 : memref<1x16x128xf32, #tpu.memory_space<vmem>> -> memref<16x128xf32, #tpu.memory_space<vmem>>
      %dma_start3A_196 = arith.constant 0 : i32
      %dma_start3A_197 = arith.constant 0 : i32
      %dma_start3A_198 = tpu.memref_slice %arg3[%add3A, %dma_start3A_196, %dma_start3A_182, %dma_start3A_197] : memref<16x16x16x128xf32, #tpu.memory_space<hbm>> -> memref<1x16x1x128xf32, #tpu.memory_space<hbm>>
      %dma_start3A_199 = tpu.memref_squeeze %dma_start3A_198 : memref<1x16x1x128xf32, #tpu.memory_space<hbm>> -> memref<16x128xf32, #tpu.memory_space<hbm>>
      tpu.enqueue_dma source(%dma_start3A_199 : memref<16x128xf32, #tpu.memory_space<hbm>>) target(%dma_start3A_195 : memref<16x128xf32, #tpu.memory_space<vmem>>) target_semaphore(%arg8 : memref<!tpu.dma_semaphore, #tpu.memory_space<semaphore_mem>>)
      %dma_start3A_200 = arith.constant 11 : i32
      %dma_start3A_201 = arith.constant 11 : i32
      %dma_start3A_202 = arith.constant 0 : i32
      %dma_start3A_203 = arith.constant 0 : i32
      %dma_start3A_204 = tpu.memref_slice %arg7[%dma_start3A_201, %dma_start3A_202, %dma_start3A_203] : memref<16x16x128xf32, #tpu.memory_space<vmem>> -> memref<1x16x128xf32, #tpu.memory_space<vmem>>
      %dma_start3A_205 = tpu.memref_squeeze %dma_start3A_204 : memref<1x16x128xf32, #tpu.memory_space<vmem>> -> memref<16x128xf32, #tpu.memory_space<vmem>>
      %dma_start3A_206 = arith.constant 0 : i32
      %dma_start3A_207 = arith.constant 0 : i32
      %dma_start3A_208 = tpu.memref_slice %arg3[%add3A, %dma_start3A_206, %dma_start3A_200, %dma_start3A_207] : memref<16x16x16x128xf32, #tpu.memory_space<hbm>> -> memref<1x16x1x128xf32, #tpu.memory_space<hbm>>
      %dma_start3A_209 = tpu.memref_squeeze %dma_start3A_208 : memref<1x16x1x128xf32, #tpu.memory_space<hbm>> -> memref<16x128xf32, #tpu.memory_space<hbm>>
      %dma_start3A_210 = arith.constant 0 : i32
      %dma_start3A_211 = arith.constant 0 : i32
      %dma_start3A_212 = tpu.memref_slice %arg7[%dma_start3A_201, %dma_start3A_210, %dma_start3A_211] : memref<16x16x128xf32, #tpu.memory_space<vmem>> -> memref<1x16x128xf32, #tpu.memory_space<vmem>>
      %dma_start3A_213 = tpu.memref_squeeze %dma_start3A_212 : memref<1x16x128xf32, #tpu.memory_space<vmem>> -> memref<16x128xf32, #tpu.memory_space<vmem>>
      %dma_start3A_214 = arith.constant 0 : i32
      %dma_start3A_215 = arith.constant 0 : i32
      %dma_start3A_216 = tpu.memref_slice %arg3[%add3A, %dma_start3A_214, %dma_start3A_200, %dma_start3A_215] : memref<16x16x16x128xf32, #tpu.memory_space<hbm>> -> memref<1x16x1x128xf32, #tpu.memory_space<hbm>>
      %dma_start3A_217 = tpu.memref_squeeze %dma_start3A_216 : memref<1x16x1x128xf32, #tpu.memory_space<hbm>> -> memref<16x128xf32, #tpu.memory_space<hbm>>
      tpu.enqueue_dma source(%dma_start3A_217 : memref<16x128xf32, #tpu.memory_space<hbm>>) target(%dma_start3A_213 : memref<16x128xf32, #tpu.memory_space<vmem>>) target_semaphore(%arg8 : memref<!tpu.dma_semaphore, #tpu.memory_space<semaphore_mem>>)
      %dma_start3A_218 = arith.constant 12 : i32
      %dma_start3A_219 = arith.constant 12 : i32
      %dma_start3A_220 = arith.constant 0 : i32
      %dma_start3A_221 = arith.constant 0 : i32
      %dma_start3A_222 = tpu.memref_slice %arg7[%dma_start3A_219, %dma_start3A_220, %dma_start3A_221] : memref<16x16x128xf32, #tpu.memory_space<vmem>> -> memref<1x16x128xf32, #tpu.memory_space<vmem>>
      %dma_start3A_223 = tpu.memref_squeeze %dma_start3A_222 : memref<1x16x128xf32, #tpu.memory_space<vmem>> -> memref<16x128xf32, #tpu.memory_space<vmem>>
      %dma_start3A_224 = arith.constant 0 : i32
      %dma_start3A_225 = arith.constant 0 : i32
      %dma_start3A_226 = tpu.memref_slice %arg3[%add3A, %dma_start3A_224, %dma_start3A_218, %dma_start3A_225] : memref<16x16x16x128xf32, #tpu.memory_space<hbm>> -> memref<1x16x1x128xf32, #tpu.memory_space<hbm>>
      %dma_start3A_227 = tpu.memref_squeeze %dma_start3A_226 : memref<1x16x1x128xf32, #tpu.memory_space<hbm>> -> memref<16x128xf32, #tpu.memory_space<hbm>>
      %dma_start3A_228 = arith.constant 0 : i32
      %dma_start3A_229 = arith.constant 0 : i32
      %dma_start3A_230 = tpu.memref_slice %arg7[%dma_start3A_219, %dma_start3A_228, %dma_start3A_229] : memref<16x16x128xf32, #tpu.memory_space<vmem>> -> memref<1x16x128xf32, #tpu.memory_space<vmem>>
      %dma_start3A_231 = tpu.memref_squeeze %dma_start3A_230 : memref<1x16x128xf32, #tpu.memory_space<vmem>> -> memref<16x128xf32, #tpu.memory_space<vmem>>
      %dma_start3A_232 = arith.constant 0 : i32
      %dma_start3A_233 = arith.constant 0 : i32
      %dma_start3A_234 = tpu.memref_slice %arg3[%add3A, %dma_start3A_232, %dma_start3A_218, %dma_start3A_233] : memref<16x16x16x128xf32, #tpu.memory_space<hbm>> -> memref<1x16x1x128xf32, #tpu.memory_space<hbm>>
      %dma_start3A_235 = tpu.memref_squeeze %dma_start3A_234 : memref<1x16x1x128xf32, #tpu.memory_space<hbm>> -> memref<16x128xf32, #tpu.memory_space<hbm>>
      tpu.enqueue_dma source(%dma_start3A_235 : memref<16x128xf32, #tpu.memory_space<hbm>>) target(%dma_start3A_231 : memref<16x128xf32, #tpu.memory_space<vmem>>) target_semaphore(%arg8 : memref<!tpu.dma_semaphore, #tpu.memory_space<semaphore_mem>>)
      %dma_start3A_236 = arith.constant 13 : i32
      %dma_start3A_237 = arith.constant 13 : i32
      %dma_start3A_238 = arith.constant 0 : i32
      %dma_start3A_239 = arith.constant 0 : i32
      %dma_start3A_240 = tpu.memref_slice %arg7[%dma_start3A_237, %dma_start3A_238, %dma_start3A_239] : memref<16x16x128xf32, #tpu.memory_space<vmem>> -> memref<1x16x128xf32, #tpu.memory_space<vmem>>
      %dma_start3A_241 = tpu.memref_squeeze %dma_start3A_240 : memref<1x16x128xf32, #tpu.memory_space<vmem>> -> memref<16x128xf32, #tpu.memory_space<vmem>>
      %dma_start3A_242 = arith.constant 0 : i32
      %dma_start3A_243 = arith.constant 0 : i32
      %dma_start3A_244 = tpu.memref_slice %arg3[%add3A, %dma_start3A_242, %dma_start3A_236, %dma_start3A_243] : memref<16x16x16x128xf32, #tpu.memory_space<hbm>> -> memref<1x16x1x128xf32, #tpu.memory_space<hbm>>
      %dma_start3A_245 = tpu.memref_squeeze %dma_start3A_244 : memref<1x16x1x128xf32, #tpu.memory_space<hbm>> -> memref<16x128xf32, #tpu.memory_space<hbm>>
      %dma_start3A_246 = arith.constant 0 : i32
      %dma_start3A_247 = arith.constant 0 : i32
      %dma_start3A_248 = tpu.memref_slice %arg7[%dma_start3A_237, %dma_start3A_246, %dma_start3A_247] : memref<16x16x128xf32, #tpu.memory_space<vmem>> -> memref<1x16x128xf32, #tpu.memory_space<vmem>>
      %dma_start3A_249 = tpu.memref_squeeze %dma_start3A_248 : memref<1x16x128xf32, #tpu.memory_space<vmem>> -> memref<16x128xf32, #tpu.memory_space<vmem>>
      %dma_start3A_250 = arith.constant 0 : i32
      %dma_start3A_251 = arith.constant 0 : i32
      %dma_start3A_252 = tpu.memref_slice %arg3[%add3A, %dma_start3A_250, %dma_start3A_236, %dma_start3A_251] : memref<16x16x16x128xf32, #tpu.memory_space<hbm>> -> memref<1x16x1x128xf32, #tpu.memory_space<hbm>>
      %dma_start3A_253 = tpu.memref_squeeze %dma_start3A_252 : memref<1x16x1x128xf32, #tpu.memory_space<hbm>> -> memref<16x128xf32, #tpu.memory_space<hbm>>
      tpu.enqueue_dma source(%dma_start3A_253 : memref<16x128xf32, #tpu.memory_space<hbm>>) target(%dma_start3A_249 : memref<16x128xf32, #tpu.memory_space<vmem>>) target_semaphore(%arg8 : memref<!tpu.dma_semaphore, #tpu.memory_space<semaphore_mem>>)
      %dma_start3A_254 = arith.constant 14 : i32
      %dma_start3A_255 = arith.constant 14 : i32
      %dma_start3A_256 = arith.constant 0 : i32
      %dma_start3A_257 = arith.constant 0 : i32
      %dma_start3A_258 = tpu.memref_slice %arg7[%dma_start3A_255, %dma_start3A_256, %dma_start3A_257] : memref<16x16x128xf32, #tpu.memory_space<vmem>> -> memref<1x16x128xf32, #tpu.memory_space<vmem>>
      %dma_start3A_259 = tpu.memref_squeeze %dma_start3A_258 : memref<1x16x128xf32, #tpu.memory_space<vmem>> -> memref<16x128xf32, #tpu.memory_space<vmem>>
      %dma_start3A_260 = arith.constant 0 : i32
      %dma_start3A_261 = arith.constant 0 : i32
      %dma_start3A_262 = tpu.memref_slice %arg3[%add3A, %dma_start3A_260, %dma_start3A_254, %dma_start3A_261] : memref<16x16x16x128xf32, #tpu.memory_space<hbm>> -> memref<1x16x1x128xf32, #tpu.memory_space<hbm>>
      %dma_start3A_263 = tpu.memref_squeeze %dma_start3A_262 : memref<1x16x1x128xf32, #tpu.memory_space<hbm>> -> memref<16x128xf32, #tpu.memory_space<hbm>>
      %dma_start3A_264 = arith.constant 0 : i32
      %dma_start3A_265 = arith.constant 0 : i32
      %dma_start3A_266 = tpu.memref_slice %arg7[%dma_start3A_255, %dma_start3A_264, %dma_start3A_265] : memref<16x16x128xf32, #tpu.memory_space<vmem>> -> memref<1x16x128xf32, #tpu.memory_space<vmem>>
      %dma_start3A_267 = tpu.memref_squeeze %dma_start3A_266 : memref<1x16x128xf32, #tpu.memory_space<vmem>> -> memref<16x128xf32, #tpu.memory_space<vmem>>
      %dma_start3A_268 = arith.constant 0 : i32
      %dma_start3A_269 = arith.constant 0 : i32
      %dma_start3A_270 = tpu.memref_slice %arg3[%add3A, %dma_start3A_268, %dma_start3A_254, %dma_start3A_269] : memref<16x16x16x128xf32, #tpu.memory_space<hbm>> -> memref<1x16x1x128xf32, #tpu.memory_space<hbm>>
      %dma_start3A_271 = tpu.memref_squeeze %dma_start3A_270 : memref<1x16x1x128xf32, #tpu.memory_space<hbm>> -> memref<16x128xf32, #tpu.memory_space<hbm>>
      tpu.enqueue_dma source(%dma_start3A_271 : memref<16x128xf32, #tpu.memory_space<hbm>>) target(%dma_start3A_267 : memref<16x128xf32, #tpu.memory_space<vmem>>) target_semaphore(%arg8 : memref<!tpu.dma_semaphore, #tpu.memory_space<semaphore_mem>>)
      %dma_start3A_272 = arith.constant 15 : i32
      %dma_start3A_273 = arith.constant 15 : i32
      %dma_start3A_274 = arith.constant 0 : i32
      %dma_start3A_275 = arith.constant 0 : i32
      %dma_start3A_276 = tpu.memref_slice %arg7[%dma_start3A_273, %dma_start3A_274, %dma_start3A_275] : memref<16x16x128xf32, #tpu.memory_space<vmem>> -> memref<1x16x128xf32, #tpu.memory_space<vmem>>
      %dma_start3A_277 = tpu.memref_squeeze %dma_start3A_276 : memref<1x16x128xf32, #tpu.memory_space<vmem>> -> memref<16x128xf32, #tpu.memory_space<vmem>>
      %dma_start3A_278 = arith.constant 0 : i32
      %dma_start3A_279 = arith.constant 0 : i32
      %dma_start3A_280 = tpu.memref_slice %arg3[%add3A, %dma_start3A_278, %dma_start3A_272, %dma_start3A_279] : memref<16x16x16x128xf32, #tpu.memory_space<hbm>> -> memref<1x16x1x128xf32, #tpu.memory_space<hbm>>
      %dma_start3A_281 = tpu.memref_squeeze %dma_start3A_280 : memref<1x16x1x128xf32, #tpu.memory_space<hbm>> -> memref<16x128xf32, #tpu.memory_space<hbm>>
      %dma_start3A_282 = arith.constant 0 : i32
      %dma_start3A_283 = arith.constant 0 : i32
      %dma_start3A_284 = tpu.memref_slice %arg7[%dma_start3A_273, %dma_start3A_282, %dma_start3A_283] : memref<16x16x128xf32, #tpu.memory_space<vmem>> -> memref<1x16x128xf32, #tpu.memory_space<vmem>>
      %dma_start3A_285 = tpu.memref_squeeze %dma_start3A_284 : memref<1x16x128xf32, #tpu.memory_space<vmem>> -> memref<16x128xf32, #tpu.memory_space<vmem>>
      %dma_start3A_286 = arith.constant 0 : i32
      %dma_start3A_287 = arith.constant 0 : i32
      %dma_start3A_288 = tpu.memref_slice %arg3[%add3A, %dma_start3A_286, %dma_start3A_272, %dma_start3A_287] : memref<16x16x16x128xf32, #tpu.memory_space<hbm>> -> memref<1x16x1x128xf32, #tpu.memory_space<hbm>>
      %dma_start3A_289 = tpu.memref_squeeze %dma_start3A_288 : memref<1x16x1x128xf32, #tpu.memory_space<hbm>> -> memref<16x128xf32, #tpu.memory_space<hbm>>
      tpu.enqueue_dma source(%dma_start3A_289 : memref<16x128xf32, #tpu.memory_space<hbm>>) target(%dma_start3A_285 : memref<16x128xf32, #tpu.memory_space<vmem>>) target_semaphore(%arg8 : memref<!tpu.dma_semaphore, #tpu.memory_space<semaphore_mem>>)
      %dma_wait3A = arith.constant 0 : i32
      %dma_wait3A_290 = arith.constant 0 : i32
      %dma_wait3A_291 = arith.constant 0 : i32
      %dma_wait3A_292 = arith.constant 0 : i32
      %dma_wait3A_293 = tpu.memref_slice %arg7[%dma_wait3A_290, %dma_wait3A_291, %dma_wait3A_292] : memref<16x16x128xf32, #tpu.memory_space<vmem>> -> memref<1x16x128xf32, #tpu.memory_space<vmem>>
      %dma_wait3A_294 = tpu.memref_squeeze %dma_wait3A_293 : memref<1x16x128xf32, #tpu.memory_space<vmem>> -> memref<16x128xf32, #tpu.memory_space<vmem>>
      %dma_wait3A_295 = arith.constant 0 : i32
      %dma_wait3A_296 = arith.constant 0 : i32
      %dma_wait3A_297 = tpu.memref_slice %arg3[%add3A, %dma_wait3A_295, %dma_wait3A, %dma_wait3A_296] : memref<16x16x16x128xf32, #tpu.memory_space<hbm>> -> memref<1x16x1x128xf32, #tpu.memory_space<hbm>>
      %dma_wait3A_298 = tpu.memref_squeeze %dma_wait3A_297 : memref<1x16x1x128xf32, #tpu.memory_space<hbm>> -> memref<16x128xf32, #tpu.memory_space<hbm>>
      %dma_wait3A_299 = arith.constant 0 : i32
      %dma_wait3A_300 = arith.constant 0 : i32
      %dma_wait3A_301 = tpu.memref_slice %arg7[%dma_wait3A_290, %dma_wait3A_299, %dma_wait3A_300] : memref<16x16x128xf32, #tpu.memory_space<vmem>> -> memref<1x16x128xf32, #tpu.memory_space<vmem>>
      %dma_wait3A_302 = tpu.memref_squeeze %dma_wait3A_301 : memref<1x16x128xf32, #tpu.memory_space<vmem>> -> memref<16x128xf32, #tpu.memory_space<vmem>>
      %dma_wait3A_303 = arith.constant 0 : i32
      %dma_wait3A_304 = arith.constant 0 : i32
      %dma_wait3A_305 = tpu.memref_slice %arg3[%add3A, %dma_wait3A_303, %dma_wait3A, %dma_wait3A_304] : memref<16x16x16x128xf32, #tpu.memory_space<hbm>> -> memref<1x16x1x128xf32, #tpu.memory_space<hbm>>
      %dma_wait3A_306 = tpu.memref_squeeze %dma_wait3A_305 : memref<1x16x1x128xf32, #tpu.memory_space<hbm>> -> memref<16x128xf32, #tpu.memory_space<hbm>>
      tpu.wait_dma2 semaphore(%arg8 : memref<!tpu.dma_semaphore, #tpu.memory_space<semaphore_mem>>) src(%dma_wait3A_306 : memref<16x128xf32, #tpu.memory_space<hbm>>) dst(%dma_wait3A_302 : memref<16x128xf32, #tpu.memory_space<vmem>>)
      %dma_wait3A_307 = arith.constant 1 : i32
      %dma_wait3A_308 = arith.constant 1 : i32
      %dma_wait3A_309 = arith.constant 0 : i32
      %dma_wait3A_310 = arith.constant 0 : i32
      %dma_wait3A_311 = tpu.memref_slice %arg7[%dma_wait3A_308, %dma_wait3A_309, %dma_wait3A_310] : memref<16x16x128xf32, #tpu.memory_space<vmem>> -> memref<1x16x128xf32, #tpu.memory_space<vmem>>
      %dma_wait3A_312 = tpu.memref_squeeze %dma_wait3A_311 : memref<1x16x128xf32, #tpu.memory_space<vmem>> -> memref<16x128xf32, #tpu.memory_space<vmem>>
      %dma_wait3A_313 = arith.constant 0 : i32
      %dma_wait3A_314 = arith.constant 0 : i32
      %dma_wait3A_315 = tpu.memref_slice %arg3[%add3A, %dma_wait3A_313, %dma_wait3A_307, %dma_wait3A_314] : memref<16x16x16x128xf32, #tpu.memory_space<hbm>> -> memref<1x16x1x128xf32, #tpu.memory_space<hbm>>
      %dma_wait3A_316 = tpu.memref_squeeze %dma_wait3A_315 : memref<1x16x1x128xf32, #tpu.memory_space<hbm>> -> memref<16x128xf32, #tpu.memory_space<hbm>>
      %dma_wait3A_317 = arith.constant 0 : i32
      %dma_wait3A_318 = arith.constant 0 : i32
      %dma_wait3A_319 = tpu.memref_slice %arg7[%dma_wait3A_308, %dma_wait3A_317, %dma_wait3A_318] : memref<16x16x128xf32, #tpu.memory_space<vmem>> -> memref<1x16x128xf32, #tpu.memory_space<vmem>>
      %dma_wait3A_320 = tpu.memref_squeeze %dma_wait3A_319 : memref<1x16x128xf32, #tpu.memory_space<vmem>> -> memref<16x128xf32, #tpu.memory_space<vmem>>
      %dma_wait3A_321 = arith.constant 0 : i32
      %dma_wait3A_322 = arith.constant 0 : i32
      %dma_wait3A_323 = tpu.memref_slice %arg3[%add3A, %dma_wait3A_321, %dma_wait3A_307, %dma_wait3A_322] : memref<16x16x16x128xf32, #tpu.memory_space<hbm>> -> memref<1x16x1x128xf32, #tpu.memory_space<hbm>>
      %dma_wait3A_324 = tpu.memref_squeeze %dma_wait3A_323 : memref<1x16x1x128xf32, #tpu.memory_space<hbm>> -> memref<16x128xf32, #tpu.memory_space<hbm>>
      tpu.wait_dma2 semaphore(%arg8 : memref<!tpu.dma_semaphore, #tpu.memory_space<semaphore_mem>>) src(%dma_wait3A_324 : memref<16x128xf32, #tpu.memory_space<hbm>>) dst(%dma_wait3A_320 : memref<16x128xf32, #tpu.memory_space<vmem>>)
      %dma_wait3A_325 = arith.constant 2 : i32
      %dma_wait3A_326 = arith.constant 2 : i32
      %dma_wait3A_327 = arith.constant 0 : i32
      %dma_wait3A_328 = arith.constant 0 : i32
      %dma_wait3A_329 = tpu.memref_slice %arg7[%dma_wait3A_326, %dma_wait3A_327, %dma_wait3A_328] : memref<16x16x128xf32, #tpu.memory_space<vmem>> -> memref<1x16x128xf32, #tpu.memory_space<vmem>>
      %dma_wait3A_330 = tpu.memref_squeeze %dma_wait3A_329 : memref<1x16x128xf32, #tpu.memory_space<vmem>> -> memref<16x128xf32, #tpu.memory_space<vmem>>
      %dma_wait3A_331 = arith.constant 0 : i32
      %dma_wait3A_332 = arith.constant 0 : i32
      %dma_wait3A_333 = tpu.memref_slice %arg3[%add3A, %dma_wait3A_331, %dma_wait3A_325, %dma_wait3A_332] : memref<16x16x16x128xf32, #tpu.memory_space<hbm>> -> memref<1x16x1x128xf32, #tpu.memory_space<hbm>>
      %dma_wait3A_334 = tpu.memref_squeeze %dma_wait3A_333 : memref<1x16x1x128xf32, #tpu.memory_space<hbm>> -> memref<16x128xf32, #tpu.memory_space<hbm>>
      %dma_wait3A_335 = arith.constant 0 : i32
      %dma_wait3A_336 = arith.constant 0 : i32
      %dma_wait3A_337 = tpu.memref_slice %arg7[%dma_wait3A_326, %dma_wait3A_335, %dma_wait3A_336] : memref<16x16x128xf32, #tpu.memory_space<vmem>> -> memref<1x16x128xf32, #tpu.memory_space<vmem>>
      %dma_wait3A_338 = tpu.memref_squeeze %dma_wait3A_337 : memref<1x16x128xf32, #tpu.memory_space<vmem>> -> memref<16x128xf32, #tpu.memory_space<vmem>>
      %dma_wait3A_339 = arith.constant 0 : i32
      %dma_wait3A_340 = arith.constant 0 : i32
      %dma_wait3A_341 = tpu.memref_slice %arg3[%add3A, %dma_wait3A_339, %dma_wait3A_325, %dma_wait3A_340] : memref<16x16x16x128xf32, #tpu.memory_space<hbm>> -> memref<1x16x1x128xf32, #tpu.memory_space<hbm>>
      %dma_wait3A_342 = tpu.memref_squeeze %dma_wait3A_341 : memref<1x16x1x128xf32, #tpu.memory_space<hbm>> -> memref<16x128xf32, #tpu.memory_space<hbm>>
      tpu.wait_dma2 semaphore(%arg8 : memref<!tpu.dma_semaphore, #tpu.memory_space<semaphore_mem>>) src(%dma_wait3A_342 : memref<16x128xf32, #tpu.memory_space<hbm>>) dst(%dma_wait3A_338 : memref<16x128xf32, #tpu.memory_space<vmem>>)
      %dma_wait3A_343 = arith.constant 3 : i32
      %dma_wait3A_344 = arith.constant 3 : i32
      %dma_wait3A_345 = arith.constant 0 : i32
      %dma_wait3A_346 = arith.constant 0 : i32
      %dma_wait3A_347 = tpu.memref_slice %arg7[%dma_wait3A_344, %dma_wait3A_345, %dma_wait3A_346] : memref<16x16x128xf32, #tpu.memory_space<vmem>> -> memref<1x16x128xf32, #tpu.memory_space<vmem>>
      %dma_wait3A_348 = tpu.memref_squeeze %dma_wait3A_347 : memref<1x16x128xf32, #tpu.memory_space<vmem>> -> memref<16x128xf32, #tpu.memory_space<vmem>>
      %dma_wait3A_349 = arith.constant 0 : i32
      %dma_wait3A_350 = arith.constant 0 : i32
      %dma_wait3A_351 = tpu.memref_slice %arg3[%add3A, %dma_wait3A_349, %dma_wait3A_343, %dma_wait3A_350] : memref<16x16x16x128xf32, #tpu.memory_space<hbm>> -> memref<1x16x1x128xf32, #tpu.memory_space<hbm>>
      %dma_wait3A_352 = tpu.memref_squeeze %dma_wait3A_351 : memref<1x16x1x128xf32, #tpu.memory_space<hbm>> -> memref<16x128xf32, #tpu.memory_space<hbm>>
      %dma_wait3A_353 = arith.constant 0 : i32
      %dma_wait3A_354 = arith.constant 0 : i32
      %dma_wait3A_355 = tpu.memref_slice %arg7[%dma_wait3A_344, %dma_wait3A_353, %dma_wait3A_354] : memref<16x16x128xf32, #tpu.memory_space<vmem>> -> memref<1x16x128xf32, #tpu.memory_space<vmem>>
      %dma_wait3A_356 = tpu.memref_squeeze %dma_wait3A_355 : memref<1x16x128xf32, #tpu.memory_space<vmem>> -> memref<16x128xf32, #tpu.memory_space<vmem>>
      %dma_wait3A_357 = arith.constant 0 : i32
      %dma_wait3A_358 = arith.constant 0 : i32
      %dma_wait3A_359 = tpu.memref_slice %arg3[%add3A, %dma_wait3A_357, %dma_wait3A_343, %dma_wait3A_358] : memref<16x16x16x128xf32, #tpu.memory_space<hbm>> -> memref<1x16x1x128xf32, #tpu.memory_space<hbm>>
      %dma_wait3A_360 = tpu.memref_squeeze %dma_wait3A_359 : memref<1x16x1x128xf32, #tpu.memory_space<hbm>> -> memref<16x128xf32, #tpu.memory_space<hbm>>
      tpu.wait_dma2 semaphore(%arg8 : memref<!tpu.dma_semaphore, #tpu.memory_space<semaphore_mem>>) src(%dma_wait3A_360 : memref<16x128xf32, #tpu.memory_space<hbm>>) dst(%dma_wait3A_356 : memref<16x128xf32, #tpu.memory_space<vmem>>)
      %dma_wait3A_361 = arith.constant 4 : i32
      %dma_wait3A_362 = arith.constant 4 : i32
      %dma_wait3A_363 = arith.constant 0 : i32
      %dma_wait3A_364 = arith.constant 0 : i32
      %dma_wait3A_365 = tpu.memref_slice %arg7[%dma_wait3A_362, %dma_wait3A_363, %dma_wait3A_364] : memref<16x16x128xf32, #tpu.memory_space<vmem>> -> memref<1x16x128xf32, #tpu.memory_space<vmem>>
      %dma_wait3A_366 = tpu.memref_squeeze %dma_wait3A_365 : memref<1x16x128xf32, #tpu.memory_space<vmem>> -> memref<16x128xf32, #tpu.memory_space<vmem>>
      %dma_wait3A_367 = arith.constant 0 : i32
      %dma_wait3A_368 = arith.constant 0 : i32
      %dma_wait3A_369 = tpu.memref_slice %arg3[%add3A, %dma_wait3A_367, %dma_wait3A_361, %dma_wait3A_368] : memref<16x16x16x128xf32, #tpu.memory_space<hbm>> -> memref<1x16x1x128xf32, #tpu.memory_space<hbm>>
      %dma_wait3A_370 = tpu.memref_squeeze %dma_wait3A_369 : memref<1x16x1x128xf32, #tpu.memory_space<hbm>> -> memref<16x128xf32, #tpu.memory_space<hbm>>
      %dma_wait3A_371 = arith.constant 0 : i32
      %dma_wait3A_372 = arith.constant 0 : i32
      %dma_wait3A_373 = tpu.memref_slice %arg7[%dma_wait3A_362, %dma_wait3A_371, %dma_wait3A_372] : memref<16x16x128xf32, #tpu.memory_space<vmem>> -> memref<1x16x128xf32, #tpu.memory_space<vmem>>
      %dma_wait3A_374 = tpu.memref_squeeze %dma_wait3A_373 : memref<1x16x128xf32, #tpu.memory_space<vmem>> -> memref<16x128xf32, #tpu.memory_space<vmem>>
      %dma_wait3A_375 = arith.constant 0 : i32
      %dma_wait3A_376 = arith.constant 0 : i32
      %dma_wait3A_377 = tpu.memref_slice %arg3[%add3A, %dma_wait3A_375, %dma_wait3A_361, %dma_wait3A_376] : memref<16x16x16x128xf32, #tpu.memory_space<hbm>> -> memref<1x16x1x128xf32, #tpu.memory_space<hbm>>
      %dma_wait3A_378 = tpu.memref_squeeze %dma_wait3A_377 : memref<1x16x1x128xf32, #tpu.memory_space<hbm>> -> memref<16x128xf32, #tpu.memory_space<hbm>>
      tpu.wait_dma2 semaphore(%arg8 : memref<!tpu.dma_semaphore, #tpu.memory_space<semaphore_mem>>) src(%dma_wait3A_378 : memref<16x128xf32, #tpu.memory_space<hbm>>) dst(%dma_wait3A_374 : memref<16x128xf32, #tpu.memory_space<vmem>>)
      %dma_wait3A_379 = arith.constant 5 : i32
      %dma_wait3A_380 = arith.constant 5 : i32
      %dma_wait3A_381 = arith.constant 0 : i32
      %dma_wait3A_382 = arith.constant 0 : i32
      %dma_wait3A_383 = tpu.memref_slice %arg7[%dma_wait3A_380, %dma_wait3A_381, %dma_wait3A_382] : memref<16x16x128xf32, #tpu.memory_space<vmem>> -> memref<1x16x128xf32, #tpu.memory_space<vmem>>
      %dma_wait3A_384 = tpu.memref_squeeze %dma_wait3A_383 : memref<1x16x128xf32, #tpu.memory_space<vmem>> -> memref<16x128xf32, #tpu.memory_space<vmem>>
      %dma_wait3A_385 = arith.constant 0 : i32
      %dma_wait3A_386 = arith.constant 0 : i32
      %dma_wait3A_387 = tpu.memref_slice %arg3[%add3A, %dma_wait3A_385, %dma_wait3A_379, %dma_wait3A_386] : memref<16x16x16x128xf32, #tpu.memory_space<hbm>> -> memref<1x16x1x128xf32, #tpu.memory_space<hbm>>
      %dma_wait3A_388 = tpu.memref_squeeze %dma_wait3A_387 : memref<1x16x1x128xf32, #tpu.memory_space<hbm>> -> memref<16x128xf32, #tpu.memory_space<hbm>>
      %dma_wait3A_389 = arith.constant 0 : i32
      %dma_wait3A_390 = arith.constant 0 : i32
      %dma_wait3A_391 = tpu.memref_slice %arg7[%dma_wait3A_380, %dma_wait3A_389, %dma_wait3A_390] : memref<16x16x128xf32, #tpu.memory_space<vmem>> -> memref<1x16x128xf32, #tpu.memory_space<vmem>>
      %dma_wait3A_392 = tpu.memref_squeeze %dma_wait3A_391 : memref<1x16x128xf32, #tpu.memory_space<vmem>> -> memref<16x128xf32, #tpu.memory_space<vmem>>
      %dma_wait3A_393 = arith.constant 0 : i32
      %dma_wait3A_394 = arith.constant 0 : i32
      %dma_wait3A_395 = tpu.memref_slice %arg3[%add3A, %dma_wait3A_393, %dma_wait3A_379, %dma_wait3A_394] : memref<16x16x16x128xf32, #tpu.memory_space<hbm>> -> memref<1x16x1x128xf32, #tpu.memory_space<hbm>>
      %dma_wait3A_396 = tpu.memref_squeeze %dma_wait3A_395 : memref<1x16x1x128xf32, #tpu.memory_space<hbm>> -> memref<16x128xf32, #tpu.memory_space<hbm>>
      tpu.wait_dma2 semaphore(%arg8 : memref<!tpu.dma_semaphore, #tpu.memory_space<semaphore_mem>>) src(%dma_wait3A_396 : memref<16x128xf32, #tpu.memory_space<hbm>>) dst(%dma_wait3A_392 : memref<16x128xf32, #tpu.memory_space<vmem>>)
      %dma_wait3A_397 = arith.constant 6 : i32
      %dma_wait3A_398 = arith.constant 6 : i32
      %dma_wait3A_399 = arith.constant 0 : i32
      %dma_wait3A_400 = arith.constant 0 : i32
      %dma_wait3A_401 = tpu.memref_slice %arg7[%dma_wait3A_398, %dma_wait3A_399, %dma_wait3A_400] : memref<16x16x128xf32, #tpu.memory_space<vmem>> -> memref<1x16x128xf32, #tpu.memory_space<vmem>>
      %dma_wait3A_402 = tpu.memref_squeeze %dma_wait3A_401 : memref<1x16x128xf32, #tpu.memory_space<vmem>> -> memref<16x128xf32, #tpu.memory_space<vmem>>
      %dma_wait3A_403 = arith.constant 0 : i32
      %dma_wait3A_404 = arith.constant 0 : i32
      %dma_wait3A_405 = tpu.memref_slice %arg3[%add3A, %dma_wait3A_403, %dma_wait3A_397, %dma_wait3A_404] : memref<16x16x16x128xf32, #tpu.memory_space<hbm>> -> memref<1x16x1x128xf32, #tpu.memory_space<hbm>>
      %dma_wait3A_406 = tpu.memref_squeeze %dma_wait3A_405 : memref<1x16x1x128xf32, #tpu.memory_space<hbm>> -> memref<16x128xf32, #tpu.memory_space<hbm>>
      %dma_wait3A_407 = arith.constant 0 : i32
      %dma_wait3A_408 = arith.constant 0 : i32
      %dma_wait3A_409 = tpu.memref_slice %arg7[%dma_wait3A_398, %dma_wait3A_407, %dma_wait3A_408] : memref<16x16x128xf32, #tpu.memory_space<vmem>> -> memref<1x16x128xf32, #tpu.memory_space<vmem>>
      %dma_wait3A_410 = tpu.memref_squeeze %dma_wait3A_409 : memref<1x16x128xf32, #tpu.memory_space<vmem>> -> memref<16x128xf32, #tpu.memory_space<vmem>>
      %dma_wait3A_411 = arith.constant 0 : i32
      %dma_wait3A_412 = arith.constant 0 : i32
      %dma_wait3A_413 = tpu.memref_slice %arg3[%add3A, %dma_wait3A_411, %dma_wait3A_397, %dma_wait3A_412] : memref<16x16x16x128xf32, #tpu.memory_space<hbm>> -> memref<1x16x1x128xf32, #tpu.memory_space<hbm>>
      %dma_wait3A_414 = tpu.memref_squeeze %dma_wait3A_413 : memref<1x16x1x128xf32, #tpu.memory_space<hbm>> -> memref<16x128xf32, #tpu.memory_space<hbm>>
      tpu.wait_dma2 semaphore(%arg8 : memref<!tpu.dma_semaphore, #tpu.memory_space<semaphore_mem>>) src(%dma_wait3A_414 : memref<16x128xf32, #tpu.memory_space<hbm>>) dst(%dma_wait3A_410 : memref<16x128xf32, #tpu.memory_space<vmem>>)
      %dma_wait3A_415 = arith.constant 7 : i32
      %dma_wait3A_416 = arith.constant 7 : i32
      %dma_wait3A_417 = arith.constant 0 : i32
      %dma_wait3A_418 = arith.constant 0 : i32
      %dma_wait3A_419 = tpu.memref_slice %arg7[%dma_wait3A_416, %dma_wait3A_417, %dma_wait3A_418] : memref<16x16x128xf32, #tpu.memory_space<vmem>> -> memref<1x16x128xf32, #tpu.memory_space<vmem>>
      %dma_wait3A_420 = tpu.memref_squeeze %dma_wait3A_419 : memref<1x16x128xf32, #tpu.memory_space<vmem>> -> memref<16x128xf32, #tpu.memory_space<vmem>>
      %dma_wait3A_421 = arith.constant 0 : i32
      %dma_wait3A_422 = arith.constant 0 : i32
      %dma_wait3A_423 = tpu.memref_slice %arg3[%add3A, %dma_wait3A_421, %dma_wait3A_415, %dma_wait3A_422] : memref<16x16x16x128xf32, #tpu.memory_space<hbm>> -> memref<1x16x1x128xf32, #tpu.memory_space<hbm>>
      %dma_wait3A_424 = tpu.memref_squeeze %dma_wait3A_423 : memref<1x16x1x128xf32, #tpu.memory_space<hbm>> -> memref<16x128xf32, #tpu.memory_space<hbm>>
      %dma_wait3A_425 = arith.constant 0 : i32
      %dma_wait3A_426 = arith.constant 0 : i32
      %dma_wait3A_427 = tpu.memref_slice %arg7[%dma_wait3A_416, %dma_wait3A_425, %dma_wait3A_426] : memref<16x16x128xf32, #tpu.memory_space<vmem>> -> memref<1x16x128xf32, #tpu.memory_space<vmem>>
      %dma_wait3A_428 = tpu.memref_squeeze %dma_wait3A_427 : memref<1x16x128xf32, #tpu.memory_space<vmem>> -> memref<16x128xf32, #tpu.memory_space<vmem>>
      %dma_wait3A_429 = arith.constant 0 : i32
      %dma_wait3A_430 = arith.constant 0 : i32
      %dma_wait3A_431 = tpu.memref_slice %arg3[%add3A, %dma_wait3A_429, %dma_wait3A_415, %dma_wait3A_430] : memref<16x16x16x128xf32, #tpu.memory_space<hbm>> -> memref<1x16x1x128xf32, #tpu.memory_space<hbm>>
      %dma_wait3A_432 = tpu.memref_squeeze %dma_wait3A_431 : memref<1x16x1x128xf32, #tpu.memory_space<hbm>> -> memref<16x128xf32, #tpu.memory_space<hbm>>
      tpu.wait_dma2 semaphore(%arg8 : memref<!tpu.dma_semaphore, #tpu.memory_space<semaphore_mem>>) src(%dma_wait3A_432 : memref<16x128xf32, #tpu.memory_space<hbm>>) dst(%dma_wait3A_428 : memref<16x128xf32, #tpu.memory_space<vmem>>)
      %dma_wait3A_433 = arith.constant 8 : i32
      %dma_wait3A_434 = arith.constant 8 : i32
      %dma_wait3A_435 = arith.constant 0 : i32
      %dma_wait3A_436 = arith.constant 0 : i32
      %dma_wait3A_437 = tpu.memref_slice %arg7[%dma_wait3A_434, %dma_wait3A_435, %dma_wait3A_436] : memref<16x16x128xf32, #tpu.memory_space<vmem>> -> memref<1x16x128xf32, #tpu.memory_space<vmem>>
      %dma_wait3A_438 = tpu.memref_squeeze %dma_wait3A_437 : memref<1x16x128xf32, #tpu.memory_space<vmem>> -> memref<16x128xf32, #tpu.memory_space<vmem>>
      %dma_wait3A_439 = arith.constant 0 : i32
      %dma_wait3A_440 = arith.constant 0 : i32
      %dma_wait3A_441 = tpu.memref_slice %arg3[%add3A, %dma_wait3A_439, %dma_wait3A_433, %dma_wait3A_440] : memref<16x16x16x128xf32, #tpu.memory_space<hbm>> -> memref<1x16x1x128xf32, #tpu.memory_space<hbm>>
      %dma_wait3A_442 = tpu.memref_squeeze %dma_wait3A_441 : memref<1x16x1x128xf32, #tpu.memory_space<hbm>> -> memref<16x128xf32, #tpu.memory_space<hbm>>
      %dma_wait3A_443 = arith.constant 0 : i32
      %dma_wait3A_444 = arith.constant 0 : i32
      %dma_wait3A_445 = tpu.memref_slice %arg7[%dma_wait3A_434, %dma_wait3A_443, %dma_wait3A_444] : memref<16x16x128xf32, #tpu.memory_space<vmem>> -> memref<1x16x128xf32, #tpu.memory_space<vmem>>
      %dma_wait3A_446 = tpu.memref_squeeze %dma_wait3A_445 : memref<1x16x128xf32, #tpu.memory_space<vmem>> -> memref<16x128xf32, #tpu.memory_space<vmem>>
      %dma_wait3A_447 = arith.constant 0 : i32
      %dma_wait3A_448 = arith.constant 0 : i32
      %dma_wait3A_449 = tpu.memref_slice %arg3[%add3A, %dma_wait3A_447, %dma_wait3A_433, %dma_wait3A_448] : memref<16x16x16x128xf32, #tpu.memory_space<hbm>> -> memref<1x16x1x128xf32, #tpu.memory_space<hbm>>
      %dma_wait3A_450 = tpu.memref_squeeze %dma_wait3A_449 : memref<1x16x1x128xf32, #tpu.memory_space<hbm>> -> memref<16x128xf32, #tpu.memory_space<hbm>>
      tpu.wait_dma2 semaphore(%arg8 : memref<!tpu.dma_semaphore, #tpu.memory_space<semaphore_mem>>) src(%dma_wait3A_450 : memref<16x128xf32, #tpu.memory_space<hbm>>) dst(%dma_wait3A_446 : memref<16x128xf32, #tpu.memory_space<vmem>>)
      %dma_wait3A_451 = arith.constant 9 : i32
      %dma_wait3A_452 = arith.constant 9 : i32
      %dma_wait3A_453 = arith.constant 0 : i32
      %dma_wait3A_454 = arith.constant 0 : i32
      %dma_wait3A_455 = tpu.memref_slice %arg7[%dma_wait3A_452, %dma_wait3A_453, %dma_wait3A_454] : memref<16x16x128xf32, #tpu.memory_space<vmem>> -> memref<1x16x128xf32, #tpu.memory_space<vmem>>
      %dma_wait3A_456 = tpu.memref_squeeze %dma_wait3A_455 : memref<1x16x128xf32, #tpu.memory_space<vmem>> -> memref<16x128xf32, #tpu.memory_space<vmem>>
      %dma_wait3A_457 = arith.constant 0 : i32
      %dma_wait3A_458 = arith.constant 0 : i32
      %dma_wait3A_459 = tpu.memref_slice %arg3[%add3A, %dma_wait3A_457, %dma_wait3A_451, %dma_wait3A_458] : memref<16x16x16x128xf32, #tpu.memory_space<hbm>> -> memref<1x16x1x128xf32, #tpu.memory_space<hbm>>
      %dma_wait3A_460 = tpu.memref_squeeze %dma_wait3A_459 : memref<1x16x1x128xf32, #tpu.memory_space<hbm>> -> memref<16x128xf32, #tpu.memory_space<hbm>>
      %dma_wait3A_461 = arith.constant 0 : i32
      %dma_wait3A_462 = arith.constant 0 : i32
      %dma_wait3A_463 = tpu.memref_slice %arg7[%dma_wait3A_452, %dma_wait3A_461, %dma_wait3A_462] : memref<16x16x128xf32, #tpu.memory_space<vmem>> -> memref<1x16x128xf32, #tpu.memory_space<vmem>>
      %dma_wait3A_464 = tpu.memref_squeeze %dma_wait3A_463 : memref<1x16x128xf32, #tpu.memory_space<vmem>> -> memref<16x128xf32, #tpu.memory_space<vmem>>
      %dma_wait3A_465 = arith.constant 0 : i32
      %dma_wait3A_466 = arith.constant 0 : i32
      %dma_wait3A_467 = tpu.memref_slice %arg3[%add3A, %dma_wait3A_465, %dma_wait3A_451, %dma_wait3A_466] : memref<16x16x16x128xf32, #tpu.memory_space<hbm>> -> memref<1x16x1x128xf32, #tpu.memory_space<hbm>>
      %dma_wait3A_468 = tpu.memref_squeeze %dma_wait3A_467 : memref<1x16x1x128xf32, #tpu.memory_space<hbm>> -> memref<16x128xf32, #tpu.memory_space<hbm>>
      tpu.wait_dma2 semaphore(%arg8 : memref<!tpu.dma_semaphore, #tpu.memory_space<semaphore_mem>>) src(%dma_wait3A_468 : memref<16x128xf32, #tpu.memory_space<hbm>>) dst(%dma_wait3A_464 : memref<16x128xf32, #tpu.memory_space<vmem>>)
      %dma_wait3A_469 = arith.constant 10 : i32
      %dma_wait3A_470 = arith.constant 10 : i32
      %dma_wait3A_471 = arith.constant 0 : i32
      %dma_wait3A_472 = arith.constant 0 : i32
      %dma_wait3A_473 = tpu.memref_slice %arg7[%dma_wait3A_470, %dma_wait3A_471, %dma_wait3A_472] : memref<16x16x128xf32, #tpu.memory_space<vmem>> -> memref<1x16x128xf32, #tpu.memory_space<vmem>>
      %dma_wait3A_474 = tpu.memref_squeeze %dma_wait3A_473 : memref<1x16x128xf32, #tpu.memory_space<vmem>> -> memref<16x128xf32, #tpu.memory_space<vmem>>
      %dma_wait3A_475 = arith.constant 0 : i32
      %dma_wait3A_476 = arith.constant 0 : i32
      %dma_wait3A_477 = tpu.memref_slice %arg3[%add3A, %dma_wait3A_475, %dma_wait3A_469, %dma_wait3A_476] : memref<16x16x16x128xf32, #tpu.memory_space<hbm>> -> memref<1x16x1x128xf32, #tpu.memory_space<hbm>>
      %dma_wait3A_478 = tpu.memref_squeeze %dma_wait3A_477 : memref<1x16x1x128xf32, #tpu.memory_space<hbm>> -> memref<16x128xf32, #tpu.memory_space<hbm>>
      %dma_wait3A_479 = arith.constant 0 : i32
      %dma_wait3A_480 = arith.constant 0 : i32
      %dma_wait3A_481 = tpu.memref_slice %arg7[%dma_wait3A_470, %dma_wait3A_479, %dma_wait3A_480] : memref<16x16x128xf32, #tpu.memory_space<vmem>> -> memref<1x16x128xf32, #tpu.memory_space<vmem>>
      %dma_wait3A_482 = tpu.memref_squeeze %dma_wait3A_481 : memref<1x16x128xf32, #tpu.memory_space<vmem>> -> memref<16x128xf32, #tpu.memory_space<vmem>>
      %dma_wait3A_483 = arith.constant 0 : i32
      %dma_wait3A_484 = arith.constant 0 : i32
      %dma_wait3A_485 = tpu.memref_slice %arg3[%add3A, %dma_wait3A_483, %dma_wait3A_469, %dma_wait3A_484] : memref<16x16x16x128xf32, #tpu.memory_space<hbm>> -> memref<1x16x1x128xf32, #tpu.memory_space<hbm>>
      %dma_wait3A_486 = tpu.memref_squeeze %dma_wait3A_485 : memref<1x16x1x128xf32, #tpu.memory_space<hbm>> -> memref<16x128xf32, #tpu.memory_space<hbm>>
      tpu.wait_dma2 semaphore(%arg8 : memref<!tpu.dma_semaphore, #tpu.memory_space<semaphore_mem>>) src(%dma_wait3A_486 : memref<16x128xf32, #tpu.memory_space<hbm>>) dst(%dma_wait3A_482 : memref<16x128xf32, #tpu.memory_space<vmem>>)
      %dma_wait3A_487 = arith.constant 11 : i32
      %dma_wait3A_488 = arith.constant 11 : i32
      %dma_wait3A_489 = arith.constant 0 : i32
      %dma_wait3A_490 = arith.constant 0 : i32
      %dma_wait3A_491 = tpu.memref_slice %arg7[%dma_wait3A_488, %dma_wait3A_489, %dma_wait3A_490] : memref<16x16x128xf32, #tpu.memory_space<vmem>> -> memref<1x16x128xf32, #tpu.memory_space<vmem>>
      %dma_wait3A_492 = tpu.memref_squeeze %dma_wait3A_491 : memref<1x16x128xf32, #tpu.memory_space<vmem>> -> memref<16x128xf32, #tpu.memory_space<vmem>>
      %dma_wait3A_493 = arith.constant 0 : i32
      %dma_wait3A_494 = arith.constant 0 : i32
      %dma_wait3A_495 = tpu.memref_slice %arg3[%add3A, %dma_wait3A_493, %dma_wait3A_487, %dma_wait3A_494] : memref<16x16x16x128xf32, #tpu.memory_space<hbm>> -> memref<1x16x1x128xf32, #tpu.memory_space<hbm>>
      %dma_wait3A_496 = tpu.memref_squeeze %dma_wait3A_495 : memref<1x16x1x128xf32, #tpu.memory_space<hbm>> -> memref<16x128xf32, #tpu.memory_space<hbm>>
      %dma_wait3A_497 = arith.constant 0 : i32
      %dma_wait3A_498 = arith.constant 0 : i32
      %dma_wait3A_499 = tpu.memref_slice %arg7[%dma_wait3A_488, %dma_wait3A_497, %dma_wait3A_498] : memref<16x16x128xf32, #tpu.memory_space<vmem>> -> memref<1x16x128xf32, #tpu.memory_space<vmem>>
      %dma_wait3A_500 = tpu.memref_squeeze %dma_wait3A_499 : memref<1x16x128xf32, #tpu.memory_space<vmem>> -> memref<16x128xf32, #tpu.memory_space<vmem>>
      %dma_wait3A_501 = arith.constant 0 : i32
      %dma_wait3A_502 = arith.constant 0 : i32
      %dma_wait3A_503 = tpu.memref_slice %arg3[%add3A, %dma_wait3A_501, %dma_wait3A_487, %dma_wait3A_502] : memref<16x16x16x128xf32, #tpu.memory_space<hbm>> -> memref<1x16x1x128xf32, #tpu.memory_space<hbm>>
      %dma_wait3A_504 = tpu.memref_squeeze %dma_wait3A_503 : memref<1x16x1x128xf32, #tpu.memory_space<hbm>> -> memref<16x128xf32, #tpu.memory_space<hbm>>
      tpu.wait_dma2 semaphore(%arg8 : memref<!tpu.dma_semaphore, #tpu.memory_space<semaphore_mem>>) src(%dma_wait3A_504 : memref<16x128xf32, #tpu.memory_space<hbm>>) dst(%dma_wait3A_500 : memref<16x128xf32, #tpu.memory_space<vmem>>)
      %dma_wait3A_505 = arith.constant 12 : i32
      %dma_wait3A_506 = arith.constant 12 : i32
      %dma_wait3A_507 = arith.constant 0 : i32
      %dma_wait3A_508 = arith.constant 0 : i32
      %dma_wait3A_509 = tpu.memref_slice %arg7[%dma_wait3A_506, %dma_wait3A_507, %dma_wait3A_508] : memref<16x16x128xf32, #tpu.memory_space<vmem>> -> memref<1x16x128xf32, #tpu.memory_space<vmem>>
      %dma_wait3A_510 = tpu.memref_squeeze %dma_wait3A_509 : memref<1x16x128xf32, #tpu.memory_space<vmem>> -> memref<16x128xf32, #tpu.memory_space<vmem>>
      %dma_wait3A_511 = arith.constant 0 : i32
      %dma_wait3A_512 = arith.constant 0 : i32
      %dma_wait3A_513 = tpu.memref_slice %arg3[%add3A, %dma_wait3A_511, %dma_wait3A_505, %dma_wait3A_512] : memref<16x16x16x128xf32, #tpu.memory_space<hbm>> -> memref<1x16x1x128xf32, #tpu.memory_space<hbm>>
      %dma_wait3A_514 = tpu.memref_squeeze %dma_wait3A_513 : memref<1x16x1x128xf32, #tpu.memory_space<hbm>> -> memref<16x128xf32, #tpu.memory_space<hbm>>
      %dma_wait3A_515 = arith.constant 0 : i32
      %dma_wait3A_516 = arith.constant 0 : i32
      %dma_wait3A_517 = tpu.memref_slice %arg7[%dma_wait3A_506, %dma_wait3A_515, %dma_wait3A_516] : memref<16x16x128xf32, #tpu.memory_space<vmem>> -> memref<1x16x128xf32, #tpu.memory_space<vmem>>
      %dma_wait3A_518 = tpu.memref_squeeze %dma_wait3A_517 : memref<1x16x128xf32, #tpu.memory_space<vmem>> -> memref<16x128xf32, #tpu.memory_space<vmem>>
      %dma_wait3A_519 = arith.constant 0 : i32
      %dma_wait3A_520 = arith.constant 0 : i32
      %dma_wait3A_521 = tpu.memref_slice %arg3[%add3A, %dma_wait3A_519, %dma_wait3A_505, %dma_wait3A_520] : memref<16x16x16x128xf32, #tpu.memory_space<hbm>> -> memref<1x16x1x128xf32, #tpu.memory_space<hbm>>
      %dma_wait3A_522 = tpu.memref_squeeze %dma_wait3A_521 : memref<1x16x1x128xf32, #tpu.memory_space<hbm>> -> memref<16x128xf32, #tpu.memory_space<hbm>>
      tpu.wait_dma2 semaphore(%arg8 : memref<!tpu.dma_semaphore, #tpu.memory_space<semaphore_mem>>) src(%dma_wait3A_522 : memref<16x128xf32, #tpu.memory_space<hbm>>) dst(%dma_wait3A_518 : memref<16x128xf32, #tpu.memory_space<vmem>>)
      %dma_wait3A_523 = arith.constant 13 : i32
      %dma_wait3A_524 = arith.constant 13 : i32
      %dma_wait3A_525 = arith.constant 0 : i32
      %dma_wait3A_526 = arith.constant 0 : i32
      %dma_wait3A_527 = tpu.memref_slice %arg7[%dma_wait3A_524, %dma_wait3A_525, %dma_wait3A_526] : memref<16x16x128xf32, #tpu.memory_space<vmem>> -> memref<1x16x128xf32, #tpu.memory_space<vmem>>
      %dma_wait3A_528 = tpu.memref_squeeze %dma_wait3A_527 : memref<1x16x128xf32, #tpu.memory_space<vmem>> -> memref<16x128xf32, #tpu.memory_space<vmem>>
      %dma_wait3A_529 = arith.constant 0 : i32
      %dma_wait3A_530 = arith.constant 0 : i32
      %dma_wait3A_531 = tpu.memref_slice %arg3[%add3A, %dma_wait3A_529, %dma_wait3A_523, %dma_wait3A_530] : memref<16x16x16x128xf32, #tpu.memory_space<hbm>> -> memref<1x16x1x128xf32, #tpu.memory_space<hbm>>
      %dma_wait3A_532 = tpu.memref_squeeze %dma_wait3A_531 : memref<1x16x1x128xf32, #tpu.memory_space<hbm>> -> memref<16x128xf32, #tpu.memory_space<hbm>>
      %dma_wait3A_533 = arith.constant 0 : i32
      %dma_wait3A_534 = arith.constant 0 : i32
      %dma_wait3A_535 = tpu.memref_slice %arg7[%dma_wait3A_524, %dma_wait3A_533, %dma_wait3A_534] : memref<16x16x128xf32, #tpu.memory_space<vmem>> -> memref<1x16x128xf32, #tpu.memory_space<vmem>>
      %dma_wait3A_536 = tpu.memref_squeeze %dma_wait3A_535 : memref<1x16x128xf32, #tpu.memory_space<vmem>> -> memref<16x128xf32, #tpu.memory_space<vmem>>
      %dma_wait3A_537 = arith.constant 0 : i32
      %dma_wait3A_538 = arith.constant 0 : i32
      %dma_wait3A_539 = tpu.memref_slice %arg3[%add3A, %dma_wait3A_537, %dma_wait3A_523, %dma_wait3A_538] : memref<16x16x16x128xf32, #tpu.memory_space<hbm>> -> memref<1x16x1x128xf32, #tpu.memory_space<hbm>>
      %dma_wait3A_540 = tpu.memref_squeeze %dma_wait3A_539 : memref<1x16x1x128xf32, #tpu.memory_space<hbm>> -> memref<16x128xf32, #tpu.memory_space<hbm>>
      tpu.wait_dma2 semaphore(%arg8 : memref<!tpu.dma_semaphore, #tpu.memory_space<semaphore_mem>>) src(%dma_wait3A_540 : memref<16x128xf32, #tpu.memory_space<hbm>>) dst(%dma_wait3A_536 : memref<16x128xf32, #tpu.memory_space<vmem>>)
      %dma_wait3A_541 = arith.constant 14 : i32
      %dma_wait3A_542 = arith.constant 14 : i32
      %dma_wait3A_543 = arith.constant 0 : i32
      %dma_wait3A_544 = arith.constant 0 : i32
      %dma_wait3A_545 = tpu.memref_slice %arg7[%dma_wait3A_542, %dma_wait3A_543, %dma_wait3A_544] : memref<16x16x128xf32, #tpu.memory_space<vmem>> -> memref<1x16x128xf32, #tpu.memory_space<vmem>>
      %dma_wait3A_546 = tpu.memref_squeeze %dma_wait3A_545 : memref<1x16x128xf32, #tpu.memory_space<vmem>> -> memref<16x128xf32, #tpu.memory_space<vmem>>
      %dma_wait3A_547 = arith.constant 0 : i32
      %dma_wait3A_548 = arith.constant 0 : i32
      %dma_wait3A_549 = tpu.memref_slice %arg3[%add3A, %dma_wait3A_547, %dma_wait3A_541, %dma_wait3A_548] : memref<16x16x16x128xf32, #tpu.memory_space<hbm>> -> memref<1x16x1x128xf32, #tpu.memory_space<hbm>>
      %dma_wait3A_550 = tpu.memref_squeeze %dma_wait3A_549 : memref<1x16x1x128xf32, #tpu.memory_space<hbm>> -> memref<16x128xf32, #tpu.memory_space<hbm>>
      %dma_wait3A_551 = arith.constant 0 : i32
      %dma_wait3A_552 = arith.constant 0 : i32
      %dma_wait3A_553 = tpu.memref_slice %arg7[%dma_wait3A_542, %dma_wait3A_551, %dma_wait3A_552] : memref<16x16x128xf32, #tpu.memory_space<vmem>> -> memref<1x16x128xf32, #tpu.memory_space<vmem>>
      %dma_wait3A_554 = tpu.memref_squeeze %dma_wait3A_553 : memref<1x16x128xf32, #tpu.memory_space<vmem>> -> memref<16x128xf32, #tpu.memory_space<vmem>>
      %dma_wait3A_555 = arith.constant 0 : i32
      %dma_wait3A_556 = arith.constant 0 : i32
      %dma_wait3A_557 = tpu.memref_slice %arg3[%add3A, %dma_wait3A_555, %dma_wait3A_541, %dma_wait3A_556] : memref<16x16x16x128xf32, #tpu.memory_space<hbm>> -> memref<1x16x1x128xf32, #tpu.memory_space<hbm>>
      %dma_wait3A_558 = tpu.memref_squeeze %dma_wait3A_557 : memref<1x16x1x128xf32, #tpu.memory_space<hbm>> -> memref<16x128xf32, #tpu.memory_space<hbm>>
      tpu.wait_dma2 semaphore(%arg8 : memref<!tpu.dma_semaphore, #tpu.memory_space<semaphore_mem>>) src(%dma_wait3A_558 : memref<16x128xf32, #tpu.memory_space<hbm>>) dst(%dma_wait3A_554 : memref<16x128xf32, #tpu.memory_space<vmem>>)
      %dma_wait3A_559 = arith.constant 15 : i32
      %dma_wait3A_560 = arith.constant 15 : i32
      %dma_wait3A_561 = arith.constant 0 : i32
      %dma_wait3A_562 = arith.constant 0 : i32
      %dma_wait3A_563 = tpu.memref_slice %arg7[%dma_wait3A_560, %dma_wait3A_561, %dma_wait3A_562] : memref<16x16x128xf32, #tpu.memory_space<vmem>> -> memref<1x16x128xf32, #tpu.memory_space<vmem>>
      %dma_wait3A_564 = tpu.memref_squeeze %dma_wait3A_563 : memref<1x16x128xf32, #tpu.memory_space<vmem>> -> memref<16x128xf32, #tpu.memory_space<vmem>>
      %dma_wait3A_565 = arith.constant 0 : i32
      %dma_wait3A_566 = arith.constant 0 : i32
      %dma_wait3A_567 = tpu.memref_slice %arg3[%add3A, %dma_wait3A_565, %dma_wait3A_559, %dma_wait3A_566] : memref<16x16x16x128xf32, #tpu.memory_space<hbm>> -> memref<1x16x1x128xf32, #tpu.memory_space<hbm>>
      %dma_wait3A_568 = tpu.memref_squeeze %dma_wait3A_567 : memref<1x16x1x128xf32, #tpu.memory_space<hbm>> -> memref<16x128xf32, #tpu.memory_space<hbm>>
      %dma_wait3A_569 = arith.constant 0 : i32
      %dma_wait3A_570 = arith.constant 0 : i32
      %dma_wait3A_571 = tpu.memref_slice %arg7[%dma_wait3A_560, %dma_wait3A_569, %dma_wait3A_570] : memref<16x16x128xf32, #tpu.memory_space<vmem>> -> memref<1x16x128xf32, #tpu.memory_space<vmem>>
      %dma_wait3A_572 = tpu.memref_squeeze %dma_wait3A_571 : memref<1x16x128xf32, #tpu.memory_space<vmem>> -> memref<16x128xf32, #tpu.memory_space<vmem>>
      %dma_wait3A_573 = arith.constant 0 : i32
      %dma_wait3A_574 = arith.constant 0 : i32
      %dma_wait3A_575 = tpu.memref_slice %arg3[%add3A, %dma_wait3A_573, %dma_wait3A_559, %dma_wait3A_574] : memref<16x16x16x128xf32, #tpu.memory_space<hbm>> -> memref<1x16x1x128xf32, #tpu.memory_space<hbm>>
      %dma_wait3A_576 = tpu.memref_squeeze %dma_wait3A_575 : memref<1x16x1x128xf32, #tpu.memory_space<hbm>> -> memref<16x128xf32, #tpu.memory_space<hbm>>
      tpu.wait_dma2 semaphore(%arg8 : memref<!tpu.dma_semaphore, #tpu.memory_space<semaphore_mem>>) src(%dma_wait3A_576 : memref<16x128xf32, #tpu.memory_space<hbm>>) dst(%dma_wait3A_572 : memref<16x128xf32, #tpu.memory_space<vmem>>)
      %dma_start3A_577 = arith.constant 0 : i32
      %dma_start3A_578 = arith.constant 0 : i32
      %dma_start3A_579 = arith.constant 0 : i32
      %dma_start3A_580 = tpu.memref_slice %arg4[%dma_start3A_577, %dma_start3A_578, %dma_start3A_579] : memref<32768x16x128xf32, #tpu.memory_space<hbm>> -> memref<32768x16x128xf32, #tpu.memory_space<hbm>>
      tpu.enqueue_indirect_dma source(%arg7 : memref<16x16x128xf32, #tpu.memory_space<vmem>>) target(%dma_start3A_580 : memref<32768x16x128xf32, #tpu.memory_space<hbm>>) offsets(%arg6 : memref<16xi32, #tpu.memory_space<vmem>>) semaphore(%arg8 : memref<!tpu.dma_semaphore, #tpu.memory_space<semaphore_mem>>)
      %dma_wait3A_581 = arith.constant 0 : i32
      %dma_wait3A_582 = arith.constant 0 : i32
      %dma_wait3A_583 = arith.constant 0 : i32
      %dma_wait3A_584 = tpu.memref_slice %arg4[%dma_wait3A_581, %dma_wait3A_582, %dma_wait3A_583] : memref<32768x16x128xf32, #tpu.memory_space<hbm>> -> memref<32768x16x128xf32, #tpu.memory_space<hbm>>
      tpu.wait_indirect_dma semaphore(%arg8 : memref<!tpu.dma_semaphore, #tpu.memory_space<semaphore_mem>>) src(%arg7 : memref<16x16x128xf32, #tpu.memory_space<vmem>>) dst(%dma_wait3A_584 : memref<32768x16x128xf32, #tpu.memory_space<hbm>>)
    } else {
    }
    return
  }
}

module attributes {stable_mosaic.version = 14 : i64} {
  func.func @_transpose_kernel(%arg0: i32, %arg1: i32, %arg2: memref<1x16x1024x128xf32, #tpu.memory_space<vmem>>, %arg3: memref<1x1024x16x128xf32, #tpu.memory_space<vmem>>) attributes {dimension_semantics = [#tpu.dimension_semantics<arbitrary>, #tpu.dimension_semantics<arbitrary>], iteration_bounds = array<i64: 16, 2>, scalar_prefetch = 0 : i64, scratch_operands = 0 : i64, tpu.core_type = #tpu.core_type<tc>, window_params = [{transform_indices = @transform_0, window_bounds = array<i64: 1, 16, 1024, 128>}, {transform_indices = @transform_1, window_bounds = array<i64: 1, 1024, 16, 128>}]} {
    %get3A = arith.constant 0 : index
    %get3A_0 = arith.constant 0 : index
    %get3A_1 = arith.constant 0 : index
    %get3A_2 = arith.constant 0 : index
    %get3A_3 = vector.load %arg2[%get3A, %get3A_0, %get3A_1, %get3A_2] : memref<1x16x1024x128xf32, #tpu.memory_space<vmem>>, vector<1x16x1024x128xf32>
    %get3A_4 = vector.shape_cast %get3A_3 : vector<1x16x1024x128xf32> to vector<16x1024x128xf32>
    %transpose3A = tpu.transpose %get3A_4, [1, 0, 2] : vector<16x1024x128xf32> -> vector<1024x16x128xf32>
    %swap3A = arith.constant 0 : index
    %swap3A_5 = arith.constant 0 : index
    %swap3A_6 = arith.constant 0 : index
    %swap3A_7 = arith.constant 0 : index
    %swap3A_8 = vector.load %arg3[%swap3A, %swap3A_5, %swap3A_6, %swap3A_7] : memref<1x1024x16x128xf32, #tpu.memory_space<vmem>>, vector<1x1024x16x128xf32>
    %swap3A_9 = vector.shape_cast %swap3A_8 : vector<1x1024x16x128xf32> to vector<1024x16x128xf32>
    %swap3A_10 = vector.shape_cast %transpose3A : vector<1024x16x128xf32> to vector<1x1024x16x128xf32>
    tpu.vector_store %arg3[%swap3A, %swap3A_5, %swap3A_6, %swap3A_7], %swap3A_10 {strides = array<i32>} : memref<1x1024x16x128xf32, #tpu.memory_space<vmem>>, vector<1x1024x16x128xf32>,
    return
  }
  func.func @transform_0(%arg0: i32, %arg1: i32) -> (i32, i32, i32, i32) {
    %c0_i32 = arith.constant 0 : i32
    %c0_i32_0 = arith.constant 0 : i32
    %c0_i32_1 = arith.constant 0 : i32
    return %arg0, %c0_i32, %arg1, %c0_i32_0 : i32, i32, i32, i32
  }
  func.func @transform_1(%arg0: i32, %arg1: i32) -> (i32, i32, i32, i32) {
    %c0_i32 = arith.constant 0 : i32
    %c0_i32_0 = arith.constant 0 : i32
    %c0_i32_1 = arith.constant 0 : i32
    return %arg0, %arg1, %c0_i32, %c0_i32_0 : i32, i32, i32, i32
  }
}

</mosaic_0001>

<sc_bundles>
// kernel: kernel.4.cloned.1.call-start
scs
__scs_entry_jumppad:
0x0: {  	(pc) =	sbr.rel $0x88, $3  }
0x1: {  	(tag) =	ssettag $0x0;
	lr =	simm.s32 $0x1  }
0x2: {  	[smem:$0x3F9E] =	sst lr;
	_ =	strace $0xD0000000  }
0x3: {  	_ = 	snop  }
0x4: {  	_ = 	snop  }
0x5: {  	_ = 	snop  }
0x6: {  	_ = 	snop  }
0x7: {  	_ = 	snop  }
__scs_overlays_trampoline_lowered:
0x8: {  	[smem:$0x3FAD] =	sst s0  }
0x9: {  	[smem:$0x3FAE] =	sst s1  }
0xa: {  	[smem:$0x3FAF] =	sst s2  }
0xb: {  	[smem:$0x3FB0] =	sst s3  }
0xc: {  	[smem:$0x3FB1] =	sst s4  }
0xd: {  	[smem:$0x3FB2] =	sst s5  }
0xe: {  	[smem:$0x3FB3] =	sst s6  }
0xf: {  	[smem:$0x3FB4] =	sst s7  }
0x10: {  	[smem:$0x3FB5] =	sst s8  }
0x11: {  	[smem:$0x3FB6] =	sst s9;
	s0 =	simm.s32 @!p0 $0x0  }
0x12: {  	s1 =	sld [smem:$0x3F9C];
	s0 =	simm.s32 @p0 $0x1  }
0x13: {  	[smem:$0x3FB7] =	sst s0;
	s0 =	simm.s32 @!p1 $0x0  }
0x14: {  	s2 =	sld [smem:$0x3F9B];
	s0 =	simm.s32 @p1 $0x1  }
0x15: {  	[smem:$0x3FB8] =	sst s0;
	s0 =	simm.s32 @!p2 $0x0  }
0x16: {  	s3 =	sld [smem:$0x3FDB];
	s0 =	simm.s32 @p2 $0x1  }
0x17: {  	s4 =	simm.s32 $0x1BF5;
	[smem:$0x3FBA] =	sst s0  }
0x18: {  	s0 =	sld [smem:$0x3F9D];
	_ =	swait.ge [sflag:s4], $0x0  }
0x19: {  	s7 =	sld [smem:$0x3F9E]  }
0x1a: {  	s8 =	sadd.s32 $0xFFFFE003, lr  }
0x1b: {  	s9 =	sadd.s32 $0xFFFFFEF7, lr;
	s5 =	simm.s32 $0xFFFFFFFF;
	p2 =	slt.u32 s8, $0xFFFFF086  }
0x1c: {  	p1 =	slt.u32 s9, $0xF7A;
	s5 =	simm.s32 @!p2 $0x0  }
0x1d: {  	s5 =	simm.s32 @p1 $0x1;
	p0 =	seq.s32 s7, s2  }
0x1e: {  	s7 =	smul.u32 @!p0 $0xF7A, s2;
	p2 =	seq.s32 @!p0 s5, $0x0  }
0x1f: {  	s9 =	smul.u32 $0xF7A, s1;
	s8 =	simm.s32 @!p0 $0x1BF5;
	p2 =	por !p2, p0  }
0x20: {  	[sflag:s8] =	ssyncset.s32 @!p0 $0xFFFFF086;
	s6 =	sadd.s32 @!p0 s3, s7;
	s7 =	simm.s32 @!p0 $0x108  }
0x21: {  	s3 =	sadd.s32 s3, s9;
	s6 =	sadd.s32 @!p0 $0x88, s6;
	s7 =	simm.s32 @p2 $0x1082  }
0x22: {  	[simem:s7], [sflag:s8] =	dma.local @!p0 [hbm:s6], $0xF7A  }
0x23: {  	s9 =	sor.u32 $0xD0000000, s2;
	s6 =	simm.s32 $0x108;
	_ =	swait.ge @!p0 [sflag:s8], $0x0  }
0x24: {  	s3 =	sadd.s32 $0x88, s3;
	s6 =	simm.s32 @!p1 $0x1082;
	[sflag:s4] =	ssyncset.s32 $0xFFFFF086  }
0x25: {  	[simem:s6], [sflag:s4] =	dma.local [hbm:s3], $0xF7A  }
0x26: {  	[smem:$0x3F9E] =	sst s1;
	(tag) =	ssettag s2;
	_ =	strace s9  }
0x27: {  	s1 =	sld [smem:$0x3FAE]  }
0x28: {  	s2 =	sld [smem:$0x3FAF]  }
0x29: {  	s4 =	sld [smem:$0x3FB1]  }
0x2a: {  	p0 =	seq.s32 s5, $0x0;
	s5 =	sld [smem:$0x3FB2]  }
0x2b: {  	s6 =	sld [smem:$0x3FB3]  }
0x2c: {  	s7 =	sld [smem:$0x3FB4]  }
0x2d: {  	s3 =	simm.s32 $0x108;
	s8 =	sld [smem:$0x3FB5]  }
0x2e: {  	s3 =	simm.s32 @!p0 $0x1082;
	s9 =	sld [smem:$0x3FB6]  }
0x2f: {  	lr =	sadd.s32 s0, s3;
	s0 =	sld [smem:$0x3FAD]  }
0x30: {  	s3 =	sld [smem:$0x3FB0]  }
0x31: {  	[smem:$0x3FB9] =	sst s10  }
0x32: {  	s10 =	sld [smem:$0x3FB7];
	_ =	sdelay $0x3  }
0x33: {  	p0 =	seq.s32 s10, $0x1;
	s10 =	sld [smem:$0x3FB9];
	_ =	sdelay $0x3  }
0x34: {  	[smem:$0x3FB9] =	sst s10  }
0x35: {  	s10 =	sld [smem:$0x3FB8];
	_ =	sdelay $0x3  }
0x36: {  	p1 =	seq.s32 s10, $0x1;
	s10 =	sld [smem:$0x3FB9];
	_ =	sdelay $0x3  }
0x37: {  	[smem:$0x3FB9] =	sst s10  }
0x38: {  	s10 =	sld [smem:$0x3FBA]  }
0x39: {  	_ = 	snop;
	(pc) =	sbr.ind lr, $3  }
0x3a: {  	_ = 	snop  }
0x3b: {  	_ = 	snop  }
0x3c: {  	p2 =	seq.s32 s10, $0x1;
	s10 =	sld [smem:$0x3FB9]  }
0x3d: {  	_ =	shalt  }
0x3e: {  	_ =	shalt  }
0x3f: {  	_ =	shalt  }
0x40: {  	_ =	shalt  }
0x41: {  	_ =	shalt  }
0x42: {  	_ =	shalt  }
0x43: {  	_ =	shalt  }
0x44: {  	_ =	shalt  }
0x45: {  	_ =	shalt  }
0x46: {  	_ =	shalt  }
0x47: {  	_ =	shalt  }
0x48: {  	_ =	shalt  }
0x49: {  	_ =	shalt  }
0x4a: {  	_ =	shalt  }
0x4b: {  	_ =	shalt  }
0x4c: {  	_ =	shalt  }
0x4d: {  	_ =	shalt  }
0x4e: {  	_ =	shalt  }
0x4f: {  	_ =	shalt  }
0x50: {  	_ =	shalt  }
0x51: {  	_ =	shalt  }
0x52: {  	_ =	shalt  }
0x53: {  	_ =	shalt  }
0x54: {  	_ =	shalt  }
0x55: {  	_ =	shalt  }
0x56: {  	_ =	shalt  }
0x57: {  	_ =	shalt  }
0x58: {  	_ =	shalt  }
0x59: {  	_ =	shalt  }
0x5a: {  	_ =	shalt  }
0x5b: {  	_ =	shalt  }
0x5c: {  	_ =	shalt  }
0x5d: {  	_ =	shalt  }
0x5e: {  	_ =	shalt  }
0x5f: {  	_ =	shalt  }
0x60: {  	_ =	shalt  }
0x61: {  	_ =	shalt  }
0x62: {  	_ =	shalt  }
0x63: {  	_ =	shalt  }
0x64: {  	_ =	shalt  }
0x65: {  	_ =	shalt  }
0x66: {  	_ =	shalt  }
0x67: {  	_ =	shalt  }
0x68: {  	_ =	shalt  }
0x69: {  	_ =	shalt  }
0x6a: {  	_ =	shalt  }
0x6b: {  	_ =	shalt  }
0x6c: {  	_ =	shalt  }
0x6d: {  	_ =	shalt  }
0x6e: {  	_ =	shalt  }
0x6f: {  	_ =	shalt  }
0x70: {  	_ =	shalt  }
0x71: {  	_ =	shalt  }
0x72: {  	_ =	shalt  }
0x73: {  	_ =	shalt  }
0x74: {  	_ =	shalt  }
0x75: {  	_ =	shalt  }
0x76: {  	_ =	shalt  }
0x77: {  	_ =	shalt  }
0x78: {  	_ =	shalt  }
0x79: {  	_ =	shalt  }
0x7a: {  	_ =	shalt  }
0x7b: {  	_ =	shalt  }
0x7c: {  	_ =	shalt  }
0x7d: {  	_ =	shalt  }
0x7e: {  	_ =	shalt  }
0x7f: {  	_ =	shalt  }
0x80: {  	_ =	shalt  }
0x81: {  	_ =	shalt  }
0x82: {  	_ =	shalt  }
0x83: {  	_ =	shalt  }
0x84: {  	_ =	shalt  }
0x85: {  	_ =	shalt  }
0x86: {  	_ =	shalt  }
0x87: {  	_ =	shalt  }
.Lfunc_end0:
.L_simem_size_0:
called_computation_lowered:
.L_overlay_start_0:
0x88: {  	s2 =	sld [smem:$0x3FD9]  }
0x89: {  	s3 =	sld [smem:$0x3FFE];
	_ =	sdelay $0x1  }
0x8a: {  	s1 =	srdreg.scid  }
0x8b: {  	s0 =	sand.u32 $0x1, s1  }
0x8c: {  	s17 =	sshll.u32 s0, $0xA;
	s2 =	sadd.s32 s3, s2  }
0x8d: {  	s2 =	sadd.s32 s2, s17  }
0x8e: {  	[smem:$0x3FC5] =	sst s2  }
0x8f: {  	_ = 	snop  }
0x90: {  	s2 =	sld [smem:$0x3FC8]  }
0x91: {  	s18 =	sld [smem:$0x3FD0];
	(tm) =	ssettm $0x1  }
0x92: {  	s4 =	sld [smem:$0x3FFB];
	_ =	sdelay $0x3  }
0x93: {  	_ =	strace s4  }
0x94: {  	s4 =	sld [smem:$0x3FFC];
	_ =	sdelay $0x3  }
0x95: {  	_ =	strace s4  }
0x96: {  	s4 =	sld [smem:$0x3FFD];
	_ =	sdelay $0x3  }
0x97: {  	_ =	strace s4  }
0x98: {  	_ =	strace $0x8FFFFFFF  }
0x99: {  	s19 =	sld [smem:$0x3FDB];
	_ =	sdelay $0x1  }
0x9a: {  	s5 =	simm.s32 $_scs_section_size  }
0x9b: {  	s6 =	simm.s32 $_size__tile_overlayer_lowered;
	s7 =	simm.s32 $_tile_overlayer_lowered  }
0x9c: {  	s22 =	simm.s32 $0x1BFF;
	s21 =	sshll.u32 s7, $0x1;
	s4 =	sadd.s32 s5, s19  }
0x9d: {  	s8 =	simm.s32 $0x0;
	s20 =	sshll.u32 s6, $0x1;
	s6 =	sadd.s32 s21, s4  }
0x9e: {  	[timem:s8], [sflag:s22] =	dma.local [hbm:s6], s20  }
0x9f: {  	_ =	swait.ge [sflag:s22], s20  }
0xa0: {  	s5 =	ssub.s32 $0x0, s20;
	[sflag:s22] =	ssyncset.done $0x0  }
0xa1: {  	[sflag:s22] =	ssyncadd.s32 s5;
	_ =	sdelay $0x1  }
0xa2: {  	s23 =	simm.s32 $0x1B8B  }
0xa3: {  	_ =	swait.ge [sflag:s23], $0x1  }
0xa4: {  	[sflag:s23] =	ssyncset.done $0x0  }
0xa5: {  	s25 =	simm.s32 $0x1B8E;
	s24 =	sld [smem:$0x3FFE];
	[sflag:s23] =	ssyncadd.s32 $0xFFFFFFFF  }
0xa6: {  	s26 =	simm.s32 $execute0_lowered;
	[smem:$0x3FD2] =	sst s25  }
0xa7: {  	s6 =	sshll.u32 s26, $0x1;
	_ =	strace $0x80000046;
	[dreg:$0x1] =	wrdreg $0xFFFFFFFF  }
0xa8: {  	s28 =	simm.s32 $_size_execute0_lowered;
	s4 =	sadd.s32 s4, s6;
	[dreg:$0x0] =	wrdreg $0x0  }
0xa9: {  	s6 =	sshll.u32 s28, $0x1;
	[dreg:$0x2] =	wrdreg s4  }
0xaa: {  	[dreg:$0x3] =	wrdreg s6  }
0xab: {  	[dreg:$0x4] =	wrdreg $0xC0  }
0xac: {  	_ =	task [dreg:s8], $0x5FFFF  }
0xad: {  	[dreg:$0x1] =	wrdreg $0xFFFFFFFF  }
0xae: {  	[dreg:$0x0] =	wrdreg $0x60  }
0xaf: {  	[dreg:$0x2] =	wrdreg s24  }
0xb0: {  	[dreg:$0x3] =	wrdreg s2  }
0xb1: {  	[dreg:$0x4] =	wrdreg s18  }
0xb2: {  	[dreg:$0x5] =	wrdreg $0x9  }
0xb3: {  	_ =	task.clear_ibuf [dreg:s8], $0x6FFFF;
	_ =	strace $0x90000046  }
0xb4: {  	s29 =	simm.s32 $0x9;
	_ =	strace $0x80000048  }
0xb5: {  	_ =	swait.ge [sflag:s29], $0x1  }
0xb6: {  	[sflag:s29] =	ssyncadd.s32 $0xFFFFFFFF  }
0xb7: {  	_ =	strace $0x90000048  }
0xb8: {  	_ =	sfence  }
0xb9: {  	s30 =	sld [smem:$0x0];
	_ =	sdelay $0x2  }
0xba: {  	s31 =	sshll.u32 s1, $0xD;
	s1 =	sshrl.u32 s1, $0x2  }
0xbb: {  	s3 =	sand.u32 $0x4000, s31;
	s1 =	sadd.s32 s1, s30  }
0xbc: {  	s0 =	sor.u32 s3, s0;
	s1 =	sshll.u32 s1, $0x11  }
0xbd: {  	s0 =	sor.u32 s1, s0  }
0xbe: {  	s0 =	sadd.s32 $0x8F2B, s0  }
0xbf: {  	[sflag:s0] =	ssyncadd.remote.s32 $0x1  }
0xc0: {  	_ =	sfence.sel $0xFFFF  }
0xc1: {  	[dreg:$0x0] =	wrdreg $0xFFFFFFFF;
	(pc) =	sbr.abs _section_cstart, $3  }
0xc2: {  	[dreg:$0x1] =	wrdreg $0xFFFFFFFF  }
0xc3: {  	_ =	task.clear_ibuf [dreg:s8], $0x2FFFF;
	_ =	strace $0x9FFFFFFF  }
0xc4: {  	(tm) =	ssettm $0x7FFFFFFF  }
0xc5: {  	_ =	shalt  }
tec
execute0_lowered:
.L_overlay_start_1:
0x0: {  	(tag) =	ssettag $0x1  }
0x1: {  	s1 =	stileid.u32  }
0x2: {  	s4 =	rddreg [dreg:$0x0];
	p0 =	sgt.u32 s1, $0x7  }
.Ltmp0:
0x3: {  	s3 =	rddreg [dreg:$0x1];
	(pc) =	sbr.rel @p0 .LBB2_4-.Ltmp0, $4  }
0x4: {  	s0 =	rddreg [dreg:$0x2]  }
0x5: {  	s2 =	simm.s32 $0x0;
	[dreg:$0x4] =	wrdreg s0  }
0x6: {  	[smem:$0x7FF] =	sst s2  }
0x7: {  	s0 =	rddreg [dreg:$0x3];
	_ =	strace $0x80000047  }
0x8: {  	s0 =	srdreg.scid  }
0x9: {  	s5 =	sshll.u32 s1, $0x1;
	s0 =	sand.u32 $0x1, s0  }
0xa: {  	s5 =	sor.u32 s0, s5  }
0xb: {  	s6 =	sshll.u32 s5, $0xC  }
0xc: {  	s4 =	sadd.s32 $0x400, s4;
	s5 =	sshll.u32 s5, $0x4;
	s3 =	sadd.s32 s3, s6  }
0xd: {  	s4 =	sadd.s32 s4, s5;
	s6 =	sadd.s32 $0x10, s3  }
0xe: {  	[tilespmem:s2], [sflag:$0x2] =	stream.linear.gather [hbm4b:s4+s2], $0x80, $0x38;
	[tilespmem:$0x8080] =	vst v63  }
0xf: {  	s18 =	sadd.s32 $0x20, s3;
	[dreg:$0x5] =	wrdreg s6  }
0x10: {  	s19 =	sadd.s32 $0x30, s3;
	[dreg:$0x6] =	wrdreg s18  }
0x11: {  	s20 =	sadd.s32 $0x40, s3;
	[dreg:$0x7] =	wrdreg s19  }
0x12: {  	s21 =	sadd.s32 $0x50, s3;
	[dreg:$0x8] =	wrdreg s20  }
0x13: {  	s22 =	sadd.s32 $0x60, s3;
	[dreg:$0x9] =	wrdreg s21  }
0x14: {  	s23 =	sadd.s32 $0x70, s3;
	[dreg:$0xa] =	wrdreg s22  }
0x15: {  	s24 =	sadd.s32 $0x80, s3;
	[dreg:$0xb] =	wrdreg s23  }
0x16: {  	s25 =	sadd.s32 $0x90, s3;
	[dreg:$0xc] =	wrdreg s24  }
0x17: {  	s5 =	simm.s32 $0x2;
	[dreg:$0xd] =	wrdreg s25  }
0x18: {  	_ =	swait.ge [sflag:s5], $0x80  }
0x19: {  	[sflag:s5] =	ssyncset.done $0x0  }
0x1a: {  	s7 =	simm.s32 $0x80;
	s6 =	simm.s32 $0x800;
	[sflag:s5] =	ssyncadd.s32 $0xFFFFFF80  }
0x1b: {  	[tilespmem:s7], [sflag:$0x1] =	stream.strided.gather [hbm4b:s3+s7], $0x800, s6, s7, $0x38;
	[tilespmem:$0x8080] =	vst v63  }
0x1c: {  	s26 =	simm.s32 $0x880;
	s9 =	rddreg [dreg:$0x5]  }
0x1d: {  	[tilespmem:s26], [sflag:$0x1] =	stream.strided.gather [hbm4b:s9+s7], $0x800, s6, s7, $0x38;
	[tilespmem:$0x8080] =	vst v63  }
0x1e: {  	s8 =	simm.s32 $0x1080;
	s10 =	rddreg [dreg:$0x6]  }
0x1f: {  	[tilespmem:s8], [sflag:$0x1] =	stream.strided.gather [hbm4b:s10+s7], $0x800, s6, s7, $0x38;
	[tilespmem:$0x8080] =	vst v63  }
0x20: {  	s11 =	rddreg [dreg:$0x7];
	s10 =	simm.s32 $0x1880  }
0x21: {  	[tilespmem:s10], [sflag:$0x1] =	stream.strided.gather [hbm4b:s11+s7], $0x800, s6, s7, $0x38;
	[tilespmem:$0x8080] =	vst v63  }
0x22: {  	s12 =	rddreg [dreg:$0x8];
	s11 =	simm.s32 $0x2080  }
0x23: {  	[tilespmem:s11], [sflag:$0x1] =	stream.strided.gather [hbm4b:s12+s7], $0x800, s6, s7, $0x38;
	[tilespmem:$0x8080] =	vst v63  }
0x24: {  	s13 =	rddreg [dreg:$0x9];
	s12 =	simm.s32 $0x2880  }
0x25: {  	[tilespmem:s12], [sflag:$0x1] =	stream.strided.gather [hbm4b:s13+s7], $0x800, s6, s7, $0x38;
	[tilespmem:$0x8080] =	vst v63  }
0x26: {  	s14 =	rddreg [dreg:$0xa];
	s13 =	simm.s32 $0x3080  }
0x27: {  	[tilespmem:s13], [sflag:$0x1] =	stream.strided.gather [hbm4b:s14+s7], $0x800, s6, s7, $0x38;
	[tilespmem:$0x8080] =	vst v63  }
0x28: {  	s15 =	rddreg [dreg:$0xb];
	s14 =	simm.s32 $0x3880  }
0x29: {  	[tilespmem:s14], [sflag:$0x1] =	stream.strided.gather [hbm4b:s15+s7], $0x800, s6, s7, $0x38;
	[tilespmem:$0x8080] =	vst v63  }
0x2a: {  	s16 =	rddreg [dreg:$0xc];
	s15 =	simm.s32 $0x4080  }
0x2b: {  	[tilespmem:s15], [sflag:$0x1] =	stream.strided.gather [hbm4b:s16+s7], $0x800, s6, s7, $0x38;
	[tilespmem:$0x8080] =	vst v63  }
0x2c: {  	s17 =	rddreg [dreg:$0xd];
	s16 =	simm.s32 $0x4880  }
0x2d: {  	[tilespmem:s16], [sflag:$0x1] =	stream.strided.gather [hbm4b:s17+s7], $0x800, s6, s7, $0x38;
	[tilespmem:$0x8080] =	vst v63  }
0x2e: {  	s18 =	simm.s32 $0x5080;
	s17 =	sadd.s32 $0xA0, s3  }
0x2f: {  	[tilespmem:s18], [sflag:$0x1] =	stream.strided.gather [hbm4b:s17+s7], $0x800, s6, s7, $0x38;
	[tilespmem:$0x8080] =	vst v63  }
0x30: {  	s19 =	sadd.s32 $0xB0, s3;
	s20 =	simm.s32 $0x5880  }
0x31: {  	[tilespmem:s20], [sflag:$0x1] =	stream.strided.gather [hbm4b:s19+s7], $0x800, s6, s7, $0x38;
	[tilespmem:$0x8080] =	vst v63  }
0x32: {  	s21 =	sadd.s32 $0xC0, s3;
	s22 =	simm.s32 $0x6080  }
0x33: {  	[tilespmem:s22], [sflag:$0x1] =	stream.strided.gather [hbm4b:s21+s7], $0x800, s6, s7, $0x38;
	[tilespmem:$0x8080] =	vst v63  }
0x34: {  	s23 =	sadd.s32 $0xD0, s3;
	s24 =	simm.s32 $0x6880  }
0x35: {  	[tilespmem:s24], [sflag:$0x1] =	stream.strided.gather [hbm4b:s23+s7], $0x800, s6, s7, $0x38;
	[tilespmem:$0x8080] =	vst v63  }
0x36: {  	s25 =	sadd.s32 $0xE0, s3;
	s26 =	simm.s32 $0x7080  }
0x37: {  	[tilespmem:s26], [sflag:$0x1] =	stream.strided.gather [hbm4b:s25+s7], $0x800, s6, s7, $0x38;
	[tilespmem:$0x8080] =	vst v63  }
0x38: {  	s29 =	simm.s32 $0x7880;
	s30 =	simm.s32 $0x1;
	s28 =	sadd.s32 $0xF0, s3  }
0x39: {  	[tilespmem:s29], [sflag:$0x1] =	stream.strided.gather [hbm4b:s28+s7], $0x800, s6, s7, $0x38;
	[tilespmem:$0x8080] =	vst v63  }
0x3a: {  	_ =	swait.ge [sflag:s30], $0x800  }
0x3b: {  	[sflag:s30] =	ssyncset.done $0x0  }
0x3c: {  	[sflag:s30] =	ssyncadd.s32 $0xFFFFF800  }
0x3d: {  	_ =	swait.ge [sflag:s30], $0x800  }
0x3e: {  	[sflag:s30] =	ssyncset.done $0x0  }
0x3f: {  	[sflag:s30] =	ssyncadd.s32 $0xFFFFF800  }
0x40: {  	_ =	swait.ge [sflag:s30], $0x800  }
0x41: {  	[sflag:s30] =	ssyncset.done $0x0  }
0x42: {  	[sflag:s30] =	ssyncadd.s32 $0xFFFFF800  }
0x43: {  	_ =	swait.ge [sflag:s30], $0x800  }
0x44: {  	[sflag:s30] =	ssyncset.done $0x0  }
0x45: {  	[sflag:s30] =	ssyncadd.s32 $0xFFFFF800  }
0x46: {  	_ =	swait.ge [sflag:s30], $0x800  }
0x47: {  	[sflag:s30] =	ssyncset.done $0x0  }
0x48: {  	[sflag:s30] =	ssyncadd.s32 $0xFFFFF800  }
0x49: {  	_ =	swait.ge [sflag:s30], $0x800  }
0x4a: {  	[sflag:s30] =	ssyncset.done $0x0  }
0x4b: {  	[sflag:s30] =	ssyncadd.s32 $0xFFFFF800  }
0x4c: {  	_ =	swait.ge [sflag:s30], $0x800  }
0x4d: {  	[sflag:s30] =	ssyncset.done $0x0  }
0x4e: {  	[sflag:s30] =	ssyncadd.s32 $0xFFFFF800  }
0x4f: {  	_ =	swait.ge [sflag:s30], $0x800  }
0x50: {  	[sflag:s30] =	ssyncset.done $0x0  }
0x51: {  	[sflag:s30] =	ssyncadd.s32 $0xFFFFF800  }
0x52: {  	_ =	swait.ge [sflag:s30], $0x800  }
0x53: {  	[sflag:s30] =	ssyncset.done $0x0  }
0x54: {  	[sflag:s30] =	ssyncadd.s32 $0xFFFFF800  }
0x55: {  	_ =	swait.ge [sflag:s30], $0x800  }
0x56: {  	[sflag:s30] =	ssyncset.done $0x0  }
0x57: {  	[sflag:s30] =	ssyncadd.s32 $0xFFFFF800  }
0x58: {  	_ =	swait.ge [sflag:s30], $0x800  }
0x59: {  	[sflag:s30] =	ssyncset.done $0x0  }
0x5a: {  	[sflag:s30] =	ssyncadd.s32 $0xFFFFF800  }
0x5b: {  	_ =	swait.ge [sflag:s30], $0x800  }
0x5c: {  	[sflag:s30] =	ssyncset.done $0x0  }
0x5d: {  	[sflag:s30] =	ssyncadd.s32 $0xFFFFF800  }
0x5e: {  	_ =	swait.ge [sflag:s30], $0x800  }
0x5f: {  	[sflag:s30] =	ssyncset.done $0x0  }
0x60: {  	[sflag:s30] =	ssyncadd.s32 $0xFFFFF800  }
0x61: {  	_ =	swait.ge [sflag:s30], $0x800  }
0x62: {  	[sflag:s30] =	ssyncset.done $0x0  }
0x63: {  	s0 =	ssub.s32 $0x2, s0;
	[sflag:s30] =	ssyncadd.s32 $0xFFFFF800  }
0x64: {  	s31 =	sshrl.u32 s0, $0x1;
	_ =	swait.ge [sflag:s30], $0x800  }
0x65: {  	s0 =	ssub.s32 s0, s31;
	[sflag:s30] =	ssyncset.done $0x0  }
0x66: {  	s0 =	smax.u32 s0, $0x1;
	[sflag:s30] =	ssyncadd.s32 $0xFFFFF800  }
0x67: {  	p0 =	sne.s32 s0, $0x1;
	_ =	swait.ge [sflag:s30], $0x800  }
.Ltmp1:
0x68: {  	[sflag:s30] =	ssyncset.done $0x0;
	(pc) =	sbr.rel @!p0 .LBB2_3-.Ltmp1, $4  }
0x69: {  	s31 =	simm.s32 $0x10;
	s9 =	rddreg [dreg:$0x4];
	[sflag:s30] =	ssyncadd.s32 $0xFFFFF800  }
0x6a: {  	[hbm4b:s9+s31] =	stream.indirect.scatter [tilespmem:s7], [sflag:$0x1], $0x800, s2, s31, $0xb8;
	[tilespmem:$0x8080] =	vst v63  }
0x6b: {  	_ =	swait.ge [sflag:s30], $0x8000  }
0x6c: {  	s0 =	sadd.s32 $0xFFFFFFFF, s0;
	[sflag:s30] =	ssyncset.done $0x0  }
.LBB2_2:
0x6d: {  	[sflag:s30] =	ssyncadd.s32 $0xFFFF8000  }
0x6e: {  	[tilespmem:s2], [sflag:$0x2] =	stream.linear.gather [hbm4b:s4+s2], $0x80, $0x38;
	[tilespmem:$0x8080] =	vst v63  }
0x6f: {  	_ =	swait.ge [sflag:s5], $0x80  }
0x70: {  	[sflag:s5] =	ssyncset.done $0x0  }
0x71: {  	[sflag:s5] =	ssyncadd.s32 $0xFFFFFF80  }
0x72: {  	[tilespmem:s7], [sflag:$0x1] =	stream.strided.gather [hbm4b:s3+s7], $0x800, s6, s7, $0x38;
	[tilespmem:$0x8080] =	vst v63  }
0x73: {  	s9 =	simm.s32 $0x880;
	s1 =	rddreg [dreg:$0x5]  }
0x74: {  	[tilespmem:s9], [sflag:$0x1] =	stream.strided.gather [hbm4b:s1+s7], $0x800, s6, s7, $0x38;
	[tilespmem:$0x8080] =	vst v63  }
0x75: {  	s8 =	rddreg [dreg:$0x6];
	s9 =	simm.s32 $0x1080  }
0x76: {  	[tilespmem:s9], [sflag:$0x1] =	stream.strided.gather [hbm4b:s8+s7], $0x800, s6, s7, $0x38;
	[tilespmem:$0x8080] =	vst v63  }
0x77: {  	s1 =	rddreg [dreg:$0x7]  }
0x78: {  	[tilespmem:s10], [sflag:$0x1] =	stream.strided.gather [hbm4b:s1+s7], $0x800, s6, s7, $0x38;
	[tilespmem:$0x8080] =	vst v63  }
0x79: {  	s8 =	rddreg [dreg:$0x8]  }
0x7a: {  	[tilespmem:s11], [sflag:$0x1] =	stream.strided.gather [hbm4b:s8+s7], $0x800, s6, s7, $0x38;
	[tilespmem:$0x8080] =	vst v63  }
0x7b: {  	s9 =	rddreg [dreg:$0x9]  }
0x7c: {  	[tilespmem:s12], [sflag:$0x1] =	stream.strided.gather [hbm4b:s9+s7], $0x800, s6, s7, $0x38;
	[tilespmem:$0x8080] =	vst v63  }
0x7d: {  	s8 =	rddreg [dreg:$0xa]  }
0x7e: {  	[tilespmem:s13], [sflag:$0x1] =	stream.strided.gather [hbm4b:s8+s7], $0x800, s6, s7, $0x38;
	[tilespmem:$0x8080] =	vst v63  }
0x7f: {  	s9 =	rddreg [dreg:$0xb]  }
0x80: {  	[tilespmem:s14], [sflag:$0x1] =	stream.strided.gather [hbm4b:s9+s7], $0x800, s6, s7, $0x38;
	[tilespmem:$0x8080] =	vst v63  }
0x81: {  	s8 =	rddreg [dreg:$0xc]  }
0x82: {  	[tilespmem:s15], [sflag:$0x1] =	stream.strided.gather [hbm4b:s8+s7], $0x800, s6, s7, $0x38;
	[tilespmem:$0x8080] =	vst v63  }
0x83: {  	s9 =	rddreg [dreg:$0xd]  }
0x84: {  	[tilespmem:s16], [sflag:$0x1] =	stream.strided.gather [hbm4b:s9+s7], $0x800, s6, s7, $0x38;
	[tilespmem:$0x8080] =	vst v63  }
0x85: {  	_ = 	snop  }
0x86: {  	[tilespmem:s18], [sflag:$0x1] =	stream.strided.gather [hbm4b:s17+s7], $0x800, s6, s7, $0x38;
	[tilespmem:$0x8080] =	vst v63  }
0x87: {  	_ = 	snop  }
0x88: {  	[tilespmem:s20], [sflag:$0x1] =	stream.strided.gather [hbm4b:s19+s7], $0x800, s6, s7, $0x38;
	[tilespmem:$0x8080] =	vst v63  }
0x89: {  	_ = 	snop  }
0x8a: {  	[tilespmem:s22], [sflag:$0x1] =	stream.strided.gather [hbm4b:s21+s7], $0x800, s6, s7, $0x38;
	[tilespmem:$0x8080] =	vst v63  }
0x8b: {  	_ = 	snop  }
0x8c: {  	[tilespmem:s24], [sflag:$0x1] =	stream.strided.gather [hbm4b:s23+s7], $0x800, s6, s7, $0x38;
	[tilespmem:$0x8080] =	vst v63  }
0x8d: {  	_ = 	snop  }
0x8e: {  	[tilespmem:s26], [sflag:$0x1] =	stream.strided.gather [hbm4b:s25+s7], $0x800, s6, s7, $0x38;
	[tilespmem:$0x8080] =	vst v63  }
0x8f: {  	_ = 	snop  }
0x90: {  	[tilespmem:s29], [sflag:$0x1] =	stream.strided.gather [hbm4b:s28+s7], $0x800, s6, s7, $0x38;
	[tilespmem:$0x8080] =	vst v63  }
0x91: {  	_ =	swait.ge [sflag:s30], $0x800  }
0x92: {  	[sflag:s30] =	ssyncset.done $0x0  }
0x93: {  	[sflag:s30] =	ssyncadd.s32 $0xFFFFF800  }
0x94: {  	_ =	swait.ge [sflag:s30], $0x800  }
0x95: {  	[sflag:s30] =	ssyncset.done $0x0  }
0x96: {  	[sflag:s30] =	ssyncadd.s32 $0xFFFFF800  }
0x97: {  	_ =	swait.ge [sflag:s30], $0x800  }
0x98: {  	[sflag:s30] =	ssyncset.done $0x0  }
0x99: {  	[sflag:s30] =	ssyncadd.s32 $0xFFFFF800  }
0x9a: {  	_ =	swait.ge [sflag:s30], $0x800  }
0x9b: {  	[sflag:s30] =	ssyncset.done $0x0  }
0x9c: {  	[sflag:s30] =	ssyncadd.s32 $0xFFFFF800  }
0x9d: {  	_ =	swait.ge [sflag:s30], $0x800  }
0x9e: {  	[sflag:s30] =	ssyncset.done $0x0  }
0x9f: {  	[sflag:s30] =	ssyncadd.s32 $0xFFFFF800  }
0xa0: {  	_ =	swait.ge [sflag:s30], $0x800  }
0xa1: {  	[sflag:s30] =	ssyncset.done $0x0  }
0xa2: {  	[sflag:s30] =	ssyncadd.s32 $0xFFFFF800  }
0xa3: {  	_ =	swait.ge [sflag:s30], $0x800  }
0xa4: {  	[sflag:s30] =	ssyncset.done $0x0  }
0xa5: {  	[sflag:s30] =	ssyncadd.s32 $0xFFFFF800  }
0xa6: {  	_ =	swait.ge [sflag:s30], $0x800  }
0xa7: {  	[sflag:s30] =	ssyncset.done $0x0  }
0xa8: {  	[sflag:s30] =	ssyncadd.s32 $0xFFFFF800  }
0xa9: {  	_ =	swait.ge [sflag:s30], $0x800  }
0xaa: {  	[sflag:s30] =	ssyncset.done $0x0  }
0xab: {  	[sflag:s30] =	ssyncadd.s32 $0xFFFFF800  }
0xac: {  	_ =	swait.ge [sflag:s30], $0x800  }
0xad: {  	[sflag:s30] =	ssyncset.done $0x0  }
0xae: {  	[sflag:s30] =	ssyncadd.s32 $0xFFFFF800  }
0xaf: {  	_ =	swait.ge [sflag:s30], $0x800  }
0xb0: {  	[sflag:s30] =	ssyncset.done $0x0  }
0xb1: {  	[sflag:s30] =	ssyncadd.s32 $0xFFFFF800  }
0xb2: {  	_ =	swait.ge [sflag:s30], $0x800  }
0xb3: {  	[sflag:s30] =	ssyncset.done $0x0  }
0xb4: {  	[sflag:s30] =	ssyncadd.s32 $0xFFFFF800  }
0xb5: {  	_ =	swait.ge [sflag:s30], $0x800  }
0xb6: {  	[sflag:s30] =	ssyncset.done $0x0  }
0xb7: {  	[sflag:s30] =	ssyncadd.s32 $0xFFFFF800  }
0xb8: {  	_ =	swait.ge [sflag:s30], $0x800  }
0xb9: {  	[sflag:s30] =	ssyncset.done $0x0  }
0xba: {  	[sflag:s30] =	ssyncadd.s32 $0xFFFFF800  }
0xbb: {  	_ =	swait.ge [sflag:s30], $0x800  }
0xbc: {  	[sflag:s30] =	ssyncset.done $0x0  }
0xbd: {  	[sflag:s30] =	ssyncadd.s32 $0xFFFFF800  }
0xbe: {  	p0 =	sne.s32 s0, $0x1;
	_ =	swait.ge [sflag:s30], $0x800  }
.Ltmp2:
0xbf: {  	[sflag:s30] =	ssyncset.done $0x0;
	(pc) =	sbr.rel @p0 .LBB2_2-.Ltmp2, $4  }
0xc0: {  	s9 =	rddreg [dreg:$0x4];
	[sflag:s30] =	ssyncadd.s32 $0xFFFFF800  }
0xc1: {  	[hbm4b:s9+s31] =	stream.indirect.scatter [tilespmem:s7], [sflag:$0x1], $0x800, s2, s31, $0xb8;
	[tilespmem:$0x8080] =	vst v63  }
0xc2: {  	_ =	swait.ge [sflag:s30], $0x8000  }
0xc3: {  	s0 =	sadd.s32 $0xFFFFFFFF, s0;
	[sflag:s30] =	ssyncset.done $0x0  }
.LBB2_3:
0xc4: {  	[sflag:s30] =	ssyncadd.s32 $0xFFFF8000  }
0xc5: {  	s1 =	stileid.u32;
	s0 =	rddreg [dreg:$0x3]  }
.LBB2_4:
0xc6: {  	_ =	sfence.sel $0x180000  }
0xc7: {  	[bflag:$0x0] =	sbarrier.arrive $0xFFFF  }
0xc8: {  	p0 =	sne.s32 s1, $0x0;
	_ =	strace $0x90000047  }
0xc9: {  	s0 =	sadd.s32 @!p0 $0x100000, s0;
	[bflag:$0x2] =	sbarrier.arrive $0xFFFF  }
0xca: {  	[sflag:s0] =	ssyncadd.tile.s32 @!p0 $0x1;
	_ =	shalt  }
.Lfunc_end2:
_tile_overlayer_lowered:
.L_overlay_start_2:
0xcb: {  	(tag) =	ssettag $0x2  }
0xcc: {  	s0 =	rddreg [dreg:$0x0];
	s2 =	stileid.u32  }
0xcd: {  	s1 =	rddreg [dreg:$0x1];
	p0 =	sne.s32 s2, $0x0  }
0xce: {  	s3 =	rddreg [dreg:$0x2];
	[bflag:$0x3] =	sbarrier.arrive $0xFFFF;
	s2 =	simm.s32 @!p0 $0x1C02  }
0xcf: {  	[timem:s3], [sflag:s2] =	dma.local @!p0 [hbm:s0], s1  }
0xd0: {  	s0 =	simm.s32 @!p0 $0x2  }
0xd1: {  	_ =	swait.ge @!p0 [sflag:s0], s1  }
0xd2: {  	s1 =	ssub.s32 @!p0 $0x0, s1;
	[sflag:s0] =	ssyncset.done @!p0 $0x0  }
0xd3: {  	[sflag:s0] =	ssyncadd.s32 @!p0 s1  }
0xd4: {  	[bflag:$0x3] =	sbarrier.arrive $0xFFFF  }
0xd5: {  	_ =	shalt  }

</sc_bundles>
